<compile_context>
chip_gen: v7x
topology: tpu7x:2x2x1
jax: 0.10.2.dev20260603
libtpu: 0.0.44.dev20260713+nightly
codegen_flags: <defaults>
</compile_context>

<pallas_src>
import jax
import jax.numpy as jnp
from jax import lax
from jax.experimental import pallas as pl
from jax.experimental.pallas import tpu as pltpu
from jax.experimental.pallas import tpu_sc as plsc

L = 16
NC = 2
NS = 16
NW = NC * NS

B, H, W = 64, 512, 512
R = 16
K = R * W
CPP = H // R
NCHUNK = 2 * CPP
PAL = 4096


def _sc_body(x_hbm, pal_hbm, out_hbm, palv, pal0, pal1, pal2, xv, ov,
             isem0, isem1, osem0, osem1):
    c = lax.axis_index("c")
    s = lax.axis_index("s")
    wid = s * NC + c

    isems = (isem0, isem1)
    osems = (osem0, osem1)

    def in_start(n, p):
        b = wid * 2 + (n >> 5)
        r = (n & (CPP - 1)) * R
        pltpu.async_copy(x_hbm.at[b, pl.ds(r, R), :], xv.at[p], isems[p])

    def in_wait(p):
        pltpu.make_async_copy(x_hbm.at[0, pl.ds(0, R), :], xv.at[p],
                              isems[p]).wait()

    def out_start(n, p):
        b = wid * 2 + (n >> 5)
        r = (n & (CPP - 1)) * R
        pltpu.async_copy(ov.at[p], out_hbm.at[b, :, pl.ds(r, R), :], osems[p])

    def out_wait(p):
        pltpu.make_async_copy(ov.at[p], out_hbm.at[0, :, pl.ds(0, R), :],
                              osems[p]).wait()

    in_start(0, 0)
    in_start(1, 1)

    pltpu.sync_copy(pal_hbm.at[pl.ds(0, 3 * PAL)], palv)
    lane3 = lax.iota(jnp.int32, L) * 3

    @pl.loop(0, PAL // L)
    def _(k):
        idx = lane3 + k * (3 * L)
        pal0[pl.ds(k * L, L)] = plsc.load_gather(palv, [idx])
        pal1[pl.ds(k * L, L)] = plsc.load_gather(palv, [idx + 1])
        pal2[pl.ds(k * L, L)] = plsc.load_gather(palv, [idx + 2])

    def compute(p):
        @plsc.parallel_loop(0, K // L, 1, unroll=16)
        def _(j):
            row = j >> 5
            col = (j & 31) * L
            xx = xv[p, row, pl.ds(col, L)]
            t = xx * float(PAL)
            rf = (t + 8388608.0) - 8388608.0
            i = rf.astype(jnp.int32)
            i = jnp.minimum(jnp.maximum(i, 0), PAL - 1)
            ov[p, 0, row, pl.ds(col, L)] = plsc.load_gather(pal0, [i])
            ov[p, 1, row, pl.ds(col, L)] = plsc.load_gather(pal1, [i])
            ov[p, 2, row, pl.ds(col, L)] = plsc.load_gather(pal2, [i])

    @pl.loop(0, NCHUNK, step=2)
    def _(n2):
        for p in (0, 1):
            in_wait(p)

            @pl.when(n2 >= 2)
            def _():
                out_wait(p)

            compute(p)
            out_start(n2 + p, p)

            @pl.when(n2 < NCHUNK - 2)
            def _():
                in_start(n2 + p + 2, p)

    out_wait(0)
    out_wait(1)


@jax.jit
def _colormap_sc(x, pal_flat):
    mesh = plsc.VectorSubcoreMesh(core_axis_name="c", subcore_axis_name="s")
    f = pl.kernel(
        _sc_body,
        out_type=jax.ShapeDtypeStruct((B, 3, H, W), jnp.float32),
        mesh=mesh,
        compiler_params=pltpu.CompilerParams(needs_layout_passes=False),
        scratch_types=[
            pltpu.VMEM((3 * PAL,), jnp.float32),
            pltpu.VMEM((PAL,), jnp.float32),
            pltpu.VMEM((PAL,), jnp.float32),
            pltpu.VMEM((PAL,), jnp.float32),
            pltpu.VMEM((2, R, W), jnp.float32),
            pltpu.VMEM((2, 3, R, W), jnp.float32),
            pltpu.SemaphoreType.DMA,
            pltpu.SemaphoreType.DMA,
            pltpu.SemaphoreType.DMA,
            pltpu.SemaphoreType.DMA,
        ],
    )
    return f(x, pal_flat)


def kernel(x, palette):
    pal_flat = palette.reshape(3 * PAL)
    return _colormap_sc(x, pal_flat)

# --- scband reference (transcript-rebuilt; emitter-appended) ---
"""Pipeline reference for scband-colormap-59210419143313 (READ-ONLY COPY).

The authoritative reference and input builder live on the scoring server;
editing this copy changes nothing except your own understanding.
"""

import jax, jax.numpy as jnp
import numpy as np

PALETTE_SIZE = 4096
VALUES = np.array([0.0, 0.25, 0.5, 0.75, 1.0], dtype=np.float64)
COLORS = np.array([[0.0, 0.0, 0.5], [0.0, 0.5, 1.0], [0.5, 1.0, 0.5], [1.0, 0.5, 0.0], [0.5, 0.0, 0.0]], dtype=np.float64)


def _build_palette():
    low = VALUES[0]
    high = VALUES[-1]
    scale = PALETTE_SIZE / (high - low)
    xs = np.arange(low, high, step=1.0 / scale)
    palette = np.stack((np.interp(x=xs, xp=VALUES, fp=COLORS[:, 0]),
                        np.interp(x=xs, xp=VALUES, fp=COLORS[:, 1]),
                        np.interp(x=xs, xp=VALUES, fp=COLORS[:, 2])), axis=-1)
    return palette.astype(np.float32)


def setup_inputs(seed: int = 0) -> dict:
    key = jax.random.key(seed)
    x = jax.random.uniform(key, (64, 512, 512), dtype=jnp.float32)
    palette = jnp.asarray(_build_palette())
    return {"x": x, "palette": palette}


def reference(x, palette):
    size = palette.shape[0]
    low = float(VALUES[0])
    high = float(VALUES[-1])
    scale = size / (high - low)
    idx = jnp.clip(jnp.round((x - low) * scale), 0, size - 1).astype(jnp.int32)
    out = palette[idx]  # [..., H, W, 3]
    out = jnp.swapaxes(out, -1, -2)  # [..., H, 3, W]
    out = jnp.swapaxes(out, -2, -3)  # [..., 3, H, W]
    return out

if __name__ == "__main__":
    import jax
    _d = setup_inputs()
    print(jax.jit(kernel)(*tuple(_d.values())))

</pallas_src>

<mosaic_0001>
#map = affine_map<(d0, d1) -> (0, 0, 0)>
#map1 = affine_map<(d0, d1) -> (0)>
#map2 = affine_map<(d0, d1) -> (0, 0, 0, 0)>
module attributes {stable_mosaic.version = 14 : i64} {
  func.func @_sc_body(%arg0: i32, %arg1: i32, %arg2: memref<64x512x512xf32, #tpu.memory_space<hbm>>, %arg3: memref<12288xf32, #tpu.memory_space<hbm>>, %arg4: memref<64x3x512x512xf32, #tpu.memory_space<hbm>>, %arg5: memref<12288xf32, #tpu.memory_space<vmem>>, %arg6: memref<4096xf32, #tpu.memory_space<vmem>>, %arg7: memref<4096xf32, #tpu.memory_space<vmem>>, %arg8: memref<4096xf32, #tpu.memory_space<vmem>>, %arg9: memref<2x16x512xf32, #tpu.memory_space<vmem>>, %arg10: memref<2x3x16x512xf32, #tpu.memory_space<vmem>>, %arg11: memref<!tpu.dma_semaphore, #tpu.memory_space<semaphore_mem>>, %arg12: memref<!tpu.dma_semaphore, #tpu.memory_space<semaphore_mem>>, %arg13: memref<!tpu.dma_semaphore, #tpu.memory_space<semaphore_mem>>, %arg14: memref<!tpu.dma_semaphore, #tpu.memory_space<semaphore_mem>>) attributes {dimension_semantics = [#tpu.dimension_semantics<core_parallel>, #tpu.dimension_semantics<subcore_parallel>], iteration_bounds = array<i64: 2, 16>, scalar_prefetch = 0 : i64, scratch_operands = 10 : i64, tpu.core_type = #tpu.core_type<sc_vector_subcore>, window_params = [{transform_indices = #map}, {transform_indices = #map1}, {transform_indices = #map2}]} {
    %mul3A = arith.constant 2 : i32
    %mul3A_0 = arith.muli %arg1, %mul3A : i32
    %add3A = arith.addi %mul3A_0, %arg0 : i32
    %mul3A_1 = arith.constant 2 : i32
    %mul3A_2 = arith.muli %add3A, %mul3A_1 : i32
    %add3A_3 = arith.constant 0 : i32
    %add3A_4 = arith.addi %mul3A_2, %add3A_3 : i32
    %dma_start3A = arith.constant 0 : i32
    %dma_start3A_5 = arith.constant 0 : i32
    %dma_start3A_6 = arith.constant 0 : i32
    %dma_start3A_7 = tpu.memref_slice %arg9[%dma_start3A, %dma_start3A_5, %dma_start3A_6] : memref<2x16x512xf32, #tpu.memory_space<vmem>> -> memref<1x16x512xf32, #tpu.memory_space<vmem>>
    %dma_start3A_8 = tpu.memref_squeeze %dma_start3A_7 : memref<1x16x512xf32, #tpu.memory_space<vmem>> -> memref<16x512xf32, #tpu.memory_space<vmem>>
    %dma_start3A_9 = arith.constant 0 : i32
    %dma_start3A_10 = arith.constant 0 : i32
    %dma_start3A_11 = tpu.memref_slice %arg2[%add3A_4, %dma_start3A_9, %dma_start3A_10] : memref<64x512x512xf32, #tpu.memory_space<hbm>> -> memref<1x16x512xf32, #tpu.memory_space<hbm>>
    %dma_start3A_12 = tpu.memref_squeeze %dma_start3A_11 : memref<1x16x512xf32, #tpu.memory_space<hbm>> -> memref<16x512xf32, #tpu.memory_space<hbm>>
    %dma_start3A_13 = arith.constant 0 : i32
    %dma_start3A_14 = arith.constant 0 : i32
    %dma_start3A_15 = tpu.memref_slice %arg9[%dma_start3A, %dma_start3A_13, %dma_start3A_14] : memref<2x16x512xf32, #tpu.memory_space<vmem>> -> memref<1x16x512xf32, #tpu.memory_space<vmem>>
    %dma_start3A_16 = tpu.memref_squeeze %dma_start3A_15 : memref<1x16x512xf32, #tpu.memory_space<vmem>> -> memref<16x512xf32, #tpu.memory_space<vmem>>
    %dma_start3A_17 = arith.constant 0 : i32
    %dma_start3A_18 = arith.constant 0 : i32
    %dma_start3A_19 = tpu.memref_slice %arg2[%add3A_4, %dma_start3A_17, %dma_start3A_18] : memref<64x512x512xf32, #tpu.memory_space<hbm>> -> memref<1x16x512xf32, #tpu.memory_space<hbm>>
    %dma_start3A_20 = tpu.memref_squeeze %dma_start3A_19 : memref<1x16x512xf32, #tpu.memory_space<hbm>> -> memref<16x512xf32, #tpu.memory_space<hbm>>
    tpu.enqueue_dma source(%dma_start3A_20 : memref<16x512xf32, #tpu.memory_space<hbm>>) target(%dma_start3A_16 : memref<16x512xf32, #tpu.memory_space<vmem>>) target_semaphore(%arg11 : memref<!tpu.dma_semaphore, #tpu.memory_space<semaphore_mem>>)
    %mul3A_21 = arith.constant 2 : i32
    %mul3A_22 = arith.muli %add3A, %mul3A_21 : i32
    %add3A_23 = arith.constant 0 : i32
    %add3A_24 = arith.addi %mul3A_22, %add3A_23 : i32
    %dma_start3A_25 = arith.constant 1 : i32
    %dma_start3A_26 = arith.constant 0 : i32
    %dma_start3A_27 = arith.constant 0 : i32
    %dma_start3A_28 = tpu.memref_slice %arg9[%dma_start3A_25, %dma_start3A_26, %dma_start3A_27] : memref<2x16x512xf32, #tpu.memory_space<vmem>> -> memref<1x16x512xf32, #tpu.memory_space<vmem>>
    %dma_start3A_29 = tpu.memref_squeeze %dma_start3A_28 : memref<1x16x512xf32, #tpu.memory_space<vmem>> -> memref<16x512xf32, #tpu.memory_space<vmem>>
    %dma_start3A_30 = arith.constant 16 : i32
    %dma_start3A_31 = arith.constant 0 : i32
    %dma_start3A_32 = tpu.memref_slice %arg2[%add3A_24, %dma_start3A_30, %dma_start3A_31] : memref<64x512x512xf32, #tpu.memory_space<hbm>> -> memref<1x16x512xf32, #tpu.memory_space<hbm>>
    %dma_start3A_33 = tpu.memref_squeeze %dma_start3A_32 : memref<1x16x512xf32, #tpu.memory_space<hbm>> -> memref<16x512xf32, #tpu.memory_space<hbm>>
    %dma_start3A_34 = arith.constant 0 : i32
    %dma_start3A_35 = arith.constant 0 : i32
    %dma_start3A_36 = tpu.memref_slice %arg9[%dma_start3A_25, %dma_start3A_34, %dma_start3A_35] : memref<2x16x512xf32, #tpu.memory_space<vmem>> -> memref<1x16x512xf32, #tpu.memory_space<vmem>>
    %dma_start3A_37 = tpu.memref_squeeze %dma_start3A_36 : memref<1x16x512xf32, #tpu.memory_space<vmem>> -> memref<16x512xf32, #tpu.memory_space<vmem>>
    %dma_start3A_38 = arith.constant 16 : i32
    %dma_start3A_39 = arith.constant 0 : i32
    %dma_start3A_40 = tpu.memref_slice %arg2[%add3A_24, %dma_start3A_38, %dma_start3A_39] : memref<64x512x512xf32, #tpu.memory_space<hbm>> -> memref<1x16x512xf32, #tpu.memory_space<hbm>>
    %dma_start3A_41 = tpu.memref_squeeze %dma_start3A_40 : memref<1x16x512xf32, #tpu.memory_space<hbm>> -> memref<16x512xf32, #tpu.memory_space<hbm>>
    tpu.enqueue_dma source(%dma_start3A_41 : memref<16x512xf32, #tpu.memory_space<hbm>>) target(%dma_start3A_37 : memref<16x512xf32, #tpu.memory_space<vmem>>) target_semaphore(%arg12 : memref<!tpu.dma_semaphore, #tpu.memory_space<semaphore_mem>>)
    "tpu.region"() ({
      %run_scoped3A = tpu.sem_alloc : memref<!tpu.dma_semaphore, #tpu.memory_space<semaphore_mem>>
      %dma_start3A_97 = arith.constant 0 : i32
      %dma_start3A_98 = tpu.memref_slice %arg3[%dma_start3A_97] : memref<12288xf32, #tpu.memory_space<hbm>> -> memref<12288xf32, #tpu.memory_space<hbm>>
      %dma_start3A_99 = arith.constant 0 : i32
      %dma_start3A_100 = tpu.memref_slice %arg3[%dma_start3A_99] : memref<12288xf32, #tpu.memory_space<hbm>> -> memref<12288xf32, #tpu.memory_space<hbm>>
      tpu.enqueue_dma source(%dma_start3A_100 : memref<12288xf32, #tpu.memory_space<hbm>>) target(%arg5 : memref<12288xf32, #tpu.memory_space<vmem>>) target_semaphore(%run_scoped3A : memref<!tpu.dma_semaphore, #tpu.memory_space<semaphore_mem>>)
      %dma_wait3A_101 = arith.constant 0 : i32
      %dma_wait3A_102 = tpu.memref_slice %arg3[%dma_wait3A_101] : memref<12288xf32, #tpu.memory_space<hbm>> -> memref<12288xf32, #tpu.memory_space<hbm>>
      %dma_wait3A_103 = arith.constant 0 : i32
      %dma_wait3A_104 = tpu.memref_slice %arg3[%dma_wait3A_103] : memref<12288xf32, #tpu.memory_space<hbm>> -> memref<12288xf32, #tpu.memory_space<hbm>>
      tpu.wait_dma2 semaphore(%run_scoped3A : memref<!tpu.dma_semaphore, #tpu.memory_space<semaphore_mem>>) src(%dma_wait3A_104 : memref<12288xf32, #tpu.memory_space<hbm>>) dst(%arg5 : memref<12288xf32, #tpu.memory_space<vmem>>)
      tpu.yield
    }) : () -> ()
    %iota3A = tpu.iota {dimensions = array<i32: 0>} : vector<16xi32>
    %mul3A_42 = arith.constant 3 : i32
    %mul3A_43 = vector.broadcast %mul3A_42 : i32 to vector<16xi32>
    %mul3A_44 = arith.muli %iota3A, %mul3A_43 : vector<16xi32>
    %scan3A = arith.constant 0 : i32
    %scan3A_45 = arith.constant 256 : i32
    %scan3A_46 = arith.addi %scan3A, %scan3A_45 : i32
    %scan3A_47 = arith.constant 1 : i32
    scf.for %scan3A_97 = %scan3A to %scan3A_46 step %scan3A_47  : i32 {
      %mul3A_98 = arith.constant 1 : i32
      %mul3A_99 = arith.muli %scan3A_97, %mul3A_98 : i32
      %add3A_100 = arith.constant 0 : i32
      %add3A_101 = arith.addi %add3A_100, %mul3A_99 : i32
      %mul3A_102 = arith.constant 48 : i32
      %mul3A_103 = arith.muli %add3A_101, %mul3A_102 : i32
      %add3A_104 = vector.broadcast %mul3A_103 : i32 to vector<16xi32>
      %add3A_105 = arith.addi %mul3A_44, %add3A_104 : vector<16xi32>
      %gather3A = tpu.vector_load_idx %arg5[%add3A_105] : memref<12288xf32, #tpu.memory_space<vmem>>[vector<16xi32>], vector<16xf32>,
      %mul3A_106 = arith.constant 16 : i32
      %mul3A_107 = arith.muli %add3A_101, %mul3A_106 : i32
      %swap3A = arith.index_cast %mul3A_107 : i32 to index
      %swap3A_108 = tpu.vector_load %arg6[%swap3A] {strides = array<i32>} : memref<4096xf32, #tpu.memory_space<vmem>>, vector<16xf32>,
      tpu.vector_store %arg6[%swap3A], %gather3A {strides = array<i32>} : memref<4096xf32, #tpu.memory_space<vmem>>, vector<16xf32>,
      %add3A_109 = arith.constant 1 : i32
      %add3A_110 = vector.broadcast %add3A_109 : i32 to vector<16xi32>
      %add3A_111 = arith.addi %add3A_105, %add3A_110 : vector<16xi32>
      %gather3A_112 = tpu.vector_load_idx %arg5[%add3A_111] : memref<12288xf32, #tpu.memory_space<vmem>>[vector<16xi32>], vector<16xf32>,
      %mul3A_113 = arith.constant 16 : i32
      %mul3A_114 = arith.muli %add3A_101, %mul3A_113 : i32
      %swap3A_115 = arith.index_cast %mul3A_114 : i32 to index
      %swap3A_116 = tpu.vector_load %arg7[%swap3A_115] {strides = array<i32>} : memref<4096xf32, #tpu.memory_space<vmem>>, vector<16xf32>,
      tpu.vector_store %arg7[%swap3A_115], %gather3A_112 {strides = array<i32>} : memref<4096xf32, #tpu.memory_space<vmem>>, vector<16xf32>,
      %add3A_117 = arith.constant 2 : i32
      %add3A_118 = vector.broadcast %add3A_117 : i32 to vector<16xi32>
      %add3A_119 = arith.addi %add3A_105, %add3A_118 : vector<16xi32>
      %gather3A_120 = tpu.vector_load_idx %arg5[%add3A_119] : memref<12288xf32, #tpu.memory_space<vmem>>[vector<16xi32>], vector<16xf32>,
      %mul3A_121 = arith.constant 16 : i32
      %mul3A_122 = arith.muli %add3A_101, %mul3A_121 : i32
      %swap3A_123 = arith.index_cast %mul3A_122 : i32 to index
      %swap3A_124 = tpu.vector_load %arg8[%swap3A_123] {strides = array<i32>} : memref<4096xf32, #tpu.memory_space<vmem>>, vector<16xf32>,
      tpu.vector_store %arg8[%swap3A_123], %gather3A_120 {strides = array<i32>} : memref<4096xf32, #tpu.memory_space<vmem>>, vector<16xf32>,
    }
    %scan3A_48 = arith.constant 256 : i32
    %scan3A_49 = arith.constant 0 : i32
    %scan3A_50 = arith.constant 32 : i32
    %scan3A_51 = arith.addi %scan3A_49, %scan3A_50 : i32
    %scan3A_52 = arith.constant 1 : i32
    scf.for %scan3A_97 = %scan3A_49 to %scan3A_51 step %scan3A_52  : i32 {
      %mul3A_98 = arith.constant 2 : i32
      %mul3A_99 = arith.muli %scan3A_97, %mul3A_98 : i32
      %add3A_100 = arith.constant 0 : i32
      %add3A_101 = arith.addi %add3A_100, %mul3A_99 : i32
      %dma_wait3A_102 = arith.constant 0 : i32
      %dma_wait3A_103 = arith.constant 0 : i32
      %dma_wait3A_104 = arith.constant 0 : i32
      %dma_wait3A_105 = arith.constant 0 : i32
      %dma_wait3A_106 = tpu.memref_slice %arg9[%dma_wait3A_103, %dma_wait3A_104, %dma_wait3A_105] : memref<2x16x512xf32, #tpu.memory_space<vmem>> -> memref<1x16x512xf32, #tpu.memory_space<vmem>>
      %dma_wait3A_107 = tpu.memref_squeeze %dma_wait3A_106 : memref<1x16x512xf32, #tpu.memory_space<vmem>> -> memref<16x512xf32, #tpu.memory_space<vmem>>
      %dma_wait3A_108 = arith.constant 0 : i32
      %dma_wait3A_109 = arith.constant 0 : i32
      %dma_wait3A_110 = tpu.memref_slice %arg2[%dma_wait3A_102, %dma_wait3A_108, %dma_wait3A_109] : memref<64x512x512xf32, #tpu.memory_space<hbm>> -> memref<1x16x512xf32, #tpu.memory_space<hbm>>
      %dma_wait3A_111 = tpu.memref_squeeze %dma_wait3A_110 : memref<1x16x512xf32, #tpu.memory_space<hbm>> -> memref<16x512xf32, #tpu.memory_space<hbm>>
      %dma_wait3A_112 = arith.constant 0 : i32
      %dma_wait3A_113 = arith.constant 0 : i32
      %dma_wait3A_114 = tpu.memref_slice %arg9[%dma_wait3A_103, %dma_wait3A_112, %dma_wait3A_113] : memref<2x16x512xf32, #tpu.memory_space<vmem>> -> memref<1x16x512xf32, #tpu.memory_space<vmem>>
      %dma_wait3A_115 = tpu.memref_squeeze %dma_wait3A_114 : memref<1x16x512xf32, #tpu.memory_space<vmem>> -> memref<16x512xf32, #tpu.memory_space<vmem>>
      %dma_wait3A_116 = arith.constant 0 : i32
      %dma_wait3A_117 = arith.constant 0 : i32
      %dma_wait3A_118 = tpu.memref_slice %arg2[%dma_wait3A_102, %dma_wait3A_116, %dma_wait3A_117] : memref<64x512x512xf32, #tpu.memory_space<hbm>> -> memref<1x16x512xf32, #tpu.memory_space<hbm>>
      %dma_wait3A_119 = tpu.memref_squeeze %dma_wait3A_118 : memref<1x16x512xf32, #tpu.memory_space<hbm>> -> memref<16x512xf32, #tpu.memory_space<hbm>>
      tpu.wait_dma2 semaphore(%arg11 : memref<!tpu.dma_semaphore, #tpu.memory_space<semaphore_mem>>) src(%dma_wait3A_119 : memref<16x512xf32, #tpu.memory_space<hbm>>) dst(%dma_wait3A_115 : memref<16x512xf32, #tpu.memory_space<vmem>>)
      %ge3A = arith.constant 2 : i32
      %ge3A_120 = arith.cmpi sge, %add3A_101, %ge3A : i32
      %convert_element_type3A = arith.extui %ge3A_120 : i1 to i32
      %cond3A = arith.constant 0 : i32
      %cond3A_121 = arith.cmpi ne, %convert_element_type3A, %cond3A : i32
      scf.if %cond3A_121 {
        %dma_wait3A_217 = arith.constant 0 : i32
        %dma_wait3A_218 = arith.constant 0 : i32
        %dma_wait3A_219 = arith.constant 0 : i32
        %dma_wait3A_220 = arith.constant 0 : i32
        %dma_wait3A_221 = arith.constant 0 : i32
        %dma_wait3A_222 = tpu.memref_slice %arg10[%dma_wait3A_217, %dma_wait3A_219, %dma_wait3A_220, %dma_wait3A_221] : memref<2x3x16x512xf32, #tpu.memory_space<vmem>> -> memref<1x3x16x512xf32, #tpu.memory_space<vmem>>
        %dma_wait3A_223 = tpu.memref_squeeze %dma_wait3A_222 : memref<1x3x16x512xf32, #tpu.memory_space<vmem>> -> memref<3x16x512xf32, #tpu.memory_space<vmem>>
        %dma_wait3A_224 = arith.constant 0 : i32
        %dma_wait3A_225 = arith.constant 0 : i32
        %dma_wait3A_226 = arith.constant 0 : i32
        %dma_wait3A_227 = tpu.memref_slice %arg4[%dma_wait3A_218, %dma_wait3A_224, %dma_wait3A_225, %dma_wait3A_226] : memref<64x3x512x512xf32, #tpu.memory_space<hbm>> -> memref<1x3x16x512xf32, #tpu.memory_space<hbm>>
        %dma_wait3A_228 = tpu.memref_squeeze %dma_wait3A_227 : memref<1x3x16x512xf32, #tpu.memory_space<hbm>> -> memref<3x16x512xf32, #tpu.memory_space<hbm>>
        %dma_wait3A_229 = arith.constant 0 : i32
        %dma_wait3A_230 = arith.constant 0 : i32
        %dma_wait3A_231 = arith.constant 0 : i32
        %dma_wait3A_232 = tpu.memref_slice %arg4[%dma_wait3A_218, %dma_wait3A_229, %dma_wait3A_230, %dma_wait3A_231] : memref<64x3x512x512xf32, #tpu.memory_space<hbm>> -> memref<1x3x16x512xf32, #tpu.memory_space<hbm>>
        %dma_wait3A_233 = tpu.memref_squeeze %dma_wait3A_232 : memref<1x3x16x512xf32, #tpu.memory_space<hbm>> -> memref<3x16x512xf32, #tpu.memory_space<hbm>>
        %dma_wait3A_234 = arith.constant 0 : i32
        %dma_wait3A_235 = arith.constant 0 : i32
        %dma_wait3A_236 = arith.constant 0 : i32
        %dma_wait3A_237 = tpu.memref_slice %arg10[%dma_wait3A_217, %dma_wait3A_234, %dma_wait3A_235, %dma_wait3A_236] : memref<2x3x16x512xf32, #tpu.memory_space<vmem>> -> memref<1x3x16x512xf32, #tpu.memory_space<vmem>>
        %dma_wait3A_238 = tpu.memref_squeeze %dma_wait3A_237 : memref<1x3x16x512xf32, #tpu.memory_space<vmem>> -> memref<3x16x512xf32, #tpu.memory_space<vmem>>
        tpu.wait_dma2 semaphore(%arg13 : memref<!tpu.dma_semaphore, #tpu.memory_space<semaphore_mem>>) src(%dma_wait3A_238 : memref<3x16x512xf32, #tpu.memory_space<vmem>>) dst(%dma_wait3A_233 : memref<3x16x512xf32, #tpu.memory_space<hbm>>)
      } else {
      }
      %parallel_loop3A = arith.constant 0 : i32
      %parallel_loop3A_122 = arith.constant 512 : i32
      %parallel_loop3A_123 = arith.constant 1 : i32
      scf.for %parallel_loop3A_217 = %parallel_loop3A to %parallel_loop3A_122 step %parallel_loop3A_123  : i32 {
        %parallel_loop3A_218 = arith.constant 5 : i32
        %parallel_loop3A_219 = arith.shrsi %parallel_loop3A_217, %parallel_loop3A_218 : i32
        %parallel_loop3A_220 = arith.constant 31 : i32
        %parallel_loop3A_221 = arith.andi %parallel_loop3A_217, %parallel_loop3A_220 : i32
        %parallel_loop3A_222 = arith.constant 16 : i32
        %parallel_loop3A_223 = arith.muli %parallel_loop3A_221, %parallel_loop3A_222 : i32
        %parallel_loop3A_224 = arith.constant 0 : i32
        %parallel_loop3A_225 = arith.index_cast %parallel_loop3A_224 : i32 to index
        %parallel_loop3A_226 = arith.index_cast %parallel_loop3A_219 : i32 to index
        %parallel_loop3A_227 = arith.index_cast %parallel_loop3A_223 : i32 to index
        %parallel_loop3A_228 = tpu.vector_load %arg9[%parallel_loop3A_225, %parallel_loop3A_226, %parallel_loop3A_227] {strides = array<i32>} : memref<2x16x512xf32, #tpu.memory_space<vmem>>, vector<16xf32>,
        %parallel_loop3A_229 = arith.constant 4.096000e+03 : f32
        %parallel_loop3A_230 = vector.broadcast %parallel_loop3A_229 : f32 to vector<16xf32>
        %parallel_loop3A_231 = arith.mulf %parallel_loop3A_228, %parallel_loop3A_230 : vector<16xf32>
        %parallel_loop3A_232 = arith.constant 0x4B000000 : f32
        %parallel_loop3A_233 = vector.broadcast %parallel_loop3A_232 : f32 to vector<16xf32>
        %parallel_loop3A_234 = arith.addf %parallel_loop3A_231, %parallel_loop3A_233 : vector<16xf32>
        %parallel_loop3A_235 = arith.constant 0x4B000000 : f32
        %parallel_loop3A_236 = vector.broadcast %parallel_loop3A_235 : f32 to vector<16xf32>
        %parallel_loop3A_237 = arith.subf %parallel_loop3A_234, %parallel_loop3A_236 : vector<16xf32>
        %parallel_loop3A_238 = arith.fptosi %parallel_loop3A_237 : vector<16xf32> to vector<16xi32>
        %parallel_loop3A_239 = arith.constant 0 : i32
        %parallel_loop3A_240 = vector.broadcast %parallel_loop3A_239 : i32 to vector<16xi32>
        %parallel_loop3A_241 = arith.maxsi %parallel_loop3A_238, %parallel_loop3A_240 : vector<16xi32>
        %parallel_loop3A_242 = arith.constant 4095 : i32
        %parallel_loop3A_243 = vector.broadcast %parallel_loop3A_242 : i32 to vector<16xi32>
        %parallel_loop3A_244 = arith.minsi %parallel_loop3A_241, %parallel_loop3A_243 : vector<16xi32>
        %parallel_loop3A_245 = tpu.vector_load_idx %arg6[%parallel_loop3A_244] : memref<4096xf32, #tpu.memory_space<vmem>>[vector<16xi32>], vector<16xf32>,
        %parallel_loop3A_246 = arith.constant 0 : i32
        %parallel_loop3A_247 = arith.constant 0 : i32
        %parallel_loop3A_248 = arith.index_cast %parallel_loop3A_246 : i32 to index
        %parallel_loop3A_249 = arith.index_cast %parallel_loop3A_247 : i32 to index
        %parallel_loop3A_250 = arith.index_cast %parallel_loop3A_219 : i32 to index
        %parallel_loop3A_251 = arith.index_cast %parallel_loop3A_223 : i32 to index
        %parallel_loop3A_252 = tpu.vector_load %arg10[%parallel_loop3A_248, %parallel_loop3A_249, %parallel_loop3A_250, %parallel_loop3A_251] {strides = array<i32>} : memref<2x3x16x512xf32, #tpu.memory_space<vmem>>, vector<16xf32>,
        tpu.vector_store %arg10[%parallel_loop3A_248, %parallel_loop3A_249, %parallel_loop3A_250, %parallel_loop3A_251], %parallel_loop3A_245 {strides = array<i32>} : memref<2x3x16x512xf32, #tpu.memory_space<vmem>>, vector<16xf32>,
        %parallel_loop3A_253 = tpu.vector_load_idx %arg7[%parallel_loop3A_244] : memref<4096xf32, #tpu.memory_space<vmem>>[vector<16xi32>], vector<16xf32>,
        %parallel_loop3A_254 = arith.constant 0 : i32
        %parallel_loop3A_255 = arith.constant 1 : i32
        %parallel_loop3A_256 = arith.index_cast %parallel_loop3A_254 : i32 to index
        %parallel_loop3A_257 = arith.index_cast %parallel_loop3A_255 : i32 to index
        %parallel_loop3A_258 = arith.index_cast %parallel_loop3A_219 : i32 to index
        %parallel_loop3A_259 = arith.index_cast %parallel_loop3A_223 : i32 to index
        %parallel_loop3A_260 = tpu.vector_load %arg10[%parallel_loop3A_256, %parallel_loop3A_257, %parallel_loop3A_258, %parallel_loop3A_259] {strides = array<i32>} : memref<2x3x16x512xf32, #tpu.memory_space<vmem>>, vector<16xf32>,
        tpu.vector_store %arg10[%parallel_loop3A_256, %parallel_loop3A_257, %parallel_loop3A_258, %parallel_loop3A_259], %parallel_loop3A_253 {strides = array<i32>} : memref<2x3x16x512xf32, #tpu.memory_space<vmem>>, vector<16xf32>,
        %parallel_loop3A_261 = tpu.vector_load_idx %arg8[%parallel_loop3A_244] : memref<4096xf32, #tpu.memory_space<vmem>>[vector<16xi32>], vector<16xf32>,
        %parallel_loop3A_262 = arith.constant 0 : i32
        %parallel_loop3A_263 = arith.constant 2 : i32
        %parallel_loop3A_264 = arith.index_cast %parallel_loop3A_262 : i32 to index
        %parallel_loop3A_265 = arith.index_cast %parallel_loop3A_263 : i32 to index
        %parallel_loop3A_266 = arith.index_cast %parallel_loop3A_219 : i32 to index
        %parallel_loop3A_267 = arith.index_cast %parallel_loop3A_223 : i32 to index
        %parallel_loop3A_268 = tpu.vector_load %arg10[%parallel_loop3A_264, %parallel_loop3A_265, %parallel_loop3A_266, %parallel_loop3A_267] {strides = array<i32>} : memref<2x3x16x512xf32, #tpu.memory_space<vmem>>, vector<16xf32>,
        tpu.vector_store %arg10[%parallel_loop3A_264, %parallel_loop3A_265, %parallel_loop3A_266, %parallel_loop3A_267], %parallel_loop3A_261 {strides = array<i32>} : memref<2x3x16x512xf32, #tpu.memory_space<vmem>>, vector<16xf32>,
      } {sc.loop_unroll_factor = 16 : i64, sc.parallel_access}
      %add3A_124 = arith.constant 0 : i32
      %add3A_125 = arith.addi %add3A_101, %add3A_124 : i32
      %mul3A_126 = arith.constant 2 : i32
      %mul3A_127 = arith.muli %add3A, %mul3A_126 : i32
      %shift_right_arithmetic3A = arith.constant 5 : i32
      %shift_right_arithmetic3A_128 = arith.shrsi %add3A_125, %shift_right_arithmetic3A : i32
      %add3A_129 = arith.addi %mul3A_127, %shift_right_arithmetic3A_128 : i32
      %and3A = arith.constant 31 : i32
      %and3A_130 = arith.andi %add3A_125, %and3A : i32
      %mul3A_131 = arith.constant 16 : i32
      %mul3A_132 = arith.muli %and3A_130, %mul3A_131 : i32
      %dma_start3A_133 = arith.constant 0 : i32
      %dma_start3A_134 = arith.constant 0 : i32
      %dma_start3A_135 = arith.constant 0 : i32
      %dma_start3A_136 = arith.constant 0 : i32
      %dma_start3A_137 = tpu.memref_slice %arg10[%dma_start3A_133, %dma_start3A_134, %dma_start3A_135, %dma_start3A_136] : memref<2x3x16x512xf32, #tpu.memory_space<vmem>> -> memref<1x3x16x512xf32, #tpu.memory_space<vmem>>
      %dma_start3A_138 = tpu.memref_squeeze %dma_start3A_137 : memref<1x3x16x512xf32, #tpu.memory_space<vmem>> -> memref<3x16x512xf32, #tpu.memory_space<vmem>>
      %dma_start3A_139 = arith.constant 0 : i32
      %dma_start3A_140 = arith.constant 0 : i32
      %dma_start3A_141 = tpu.memref_slice %arg4[%add3A_129, %dma_start3A_139, %mul3A_132, %dma_start3A_140] : memref<64x3x512x512xf32, #tpu.memory_space<hbm>> -> memref<1x3x16x512xf32, #tpu.memory_space<hbm>>
      %dma_start3A_142 = tpu.memref_squeeze %dma_start3A_141 : memref<1x3x16x512xf32, #tpu.memory_space<hbm>> -> memref<3x16x512xf32, #tpu.memory_space<hbm>>
      %dma_start3A_143 = arith.constant 0 : i32
      %dma_start3A_144 = arith.constant 0 : i32
      %dma_start3A_145 = tpu.memref_slice %arg4[%add3A_129, %dma_start3A_143, %mul3A_132, %dma_start3A_144] : memref<64x3x512x512xf32, #tpu.memory_space<hbm>> -> memref<1x3x16x512xf32, #tpu.memory_space<hbm>>
      %dma_start3A_146 = tpu.memref_squeeze %dma_start3A_145 : memref<1x3x16x512xf32, #tpu.memory_space<hbm>> -> memref<3x16x512xf32, #tpu.memory_space<hbm>>
      %dma_start3A_147 = arith.constant 0 : i32
      %dma_start3A_148 = arith.constant 0 : i32
      %dma_start3A_149 = arith.constant 0 : i32
      %dma_start3A_150 = tpu.memref_slice %arg10[%dma_start3A_133, %dma_start3A_147, %dma_start3A_148, %dma_start3A_149] : memref<2x3x16x512xf32, #tpu.memory_space<vmem>> -> memref<1x3x16x512xf32, #tpu.memory_space<vmem>>
      %dma_start3A_151 = tpu.memref_squeeze %dma_start3A_150 : memref<1x3x16x512xf32, #tpu.memory_space<vmem>> -> memref<3x16x512xf32, #tpu.memory_space<vmem>>
      tpu.enqueue_dma source(%dma_start3A_151 : memref<3x16x512xf32, #tpu.memory_space<vmem>>) target(%dma_start3A_146 : memref<3x16x512xf32, #tpu.memory_space<hbm>>) target_semaphore(%arg13 : memref<!tpu.dma_semaphore, #tpu.memory_space<semaphore_mem>>)
      %lt3A = arith.constant 62 : i32
      %lt3A_152 = arith.cmpi slt, %add3A_101, %lt3A : i32
      %convert_element_type3A_153 = arith.extui %lt3A_152 : i1 to i32
      %cond3A_154 = arith.constant 0 : i32
      %cond3A_155 = arith.cmpi ne, %convert_element_type3A_153, %cond3A_154 : i32
      scf.if %cond3A_155 {
        %add3A_217 = arith.constant 0 : i32
        %add3A_218 = arith.addi %add3A_101, %add3A_217 : i32
        %add3A_219 = arith.constant 2 : i32
        %add3A_220 = arith.addi %add3A_218, %add3A_219 : i32
        %mul3A_221 = arith.constant 2 : i32
        %mul3A_222 = arith.muli %add3A, %mul3A_221 : i32
        %shift_right_arithmetic3A_223 = arith.constant 5 : i32
        %shift_right_arithmetic3A_224 = arith.shrsi %add3A_220, %shift_right_arithmetic3A_223 : i32
        %add3A_225 = arith.addi %mul3A_222, %shift_right_arithmetic3A_224 : i32
        %and3A_226 = arith.constant 31 : i32
        %and3A_227 = arith.andi %add3A_220, %and3A_226 : i32
        %mul3A_228 = arith.constant 16 : i32
        %mul3A_229 = arith.muli %and3A_227, %mul3A_228 : i32
        %dma_start3A_230 = arith.constant 0 : i32
        %dma_start3A_231 = arith.constant 0 : i32
        %dma_start3A_232 = arith.constant 0 : i32
        %dma_start3A_233 = tpu.memref_slice %arg9[%dma_start3A_230, %dma_start3A_231, %dma_start3A_232] : memref<2x16x512xf32, #tpu.memory_space<vmem>> -> memref<1x16x512xf32, #tpu.memory_space<vmem>>
        %dma_start3A_234 = tpu.memref_squeeze %dma_start3A_233 : memref<1x16x512xf32, #tpu.memory_space<vmem>> -> memref<16x512xf32, #tpu.memory_space<vmem>>
        %dma_start3A_235 = arith.constant 0 : i32
        %dma_start3A_236 = tpu.memref_slice %arg2[%add3A_225, %mul3A_229, %dma_start3A_235] : memref<64x512x512xf32, #tpu.memory_space<hbm>> -> memref<1x16x512xf32, #tpu.memory_space<hbm>>
        %dma_start3A_237 = tpu.memref_squeeze %dma_start3A_236 : memref<1x16x512xf32, #tpu.memory_space<hbm>> -> memref<16x512xf32, #tpu.memory_space<hbm>>
        %dma_start3A_238 = arith.constant 0 : i32
        %dma_start3A_239 = arith.constant 0 : i32
        %dma_start3A_240 = tpu.memref_slice %arg9[%dma_start3A_230, %dma_start3A_238, %dma_start3A_239] : memref<2x16x512xf32, #tpu.memory_space<vmem>> -> memref<1x16x512xf32, #tpu.memory_space<vmem>>
        %dma_start3A_241 = tpu.memref_squeeze %dma_start3A_240 : memref<1x16x512xf32, #tpu.memory_space<vmem>> -> memref<16x512xf32, #tpu.memory_space<vmem>>
        %dma_start3A_242 = arith.constant 0 : i32
        %dma_start3A_243 = tpu.memref_slice %arg2[%add3A_225, %mul3A_229, %dma_start3A_242] : memref<64x512x512xf32, #tpu.memory_space<hbm>> -> memref<1x16x512xf32, #tpu.memory_space<hbm>>
        %dma_start3A_244 = tpu.memref_squeeze %dma_start3A_243 : memref<1x16x512xf32, #tpu.memory_space<hbm>> -> memref<16x512xf32, #tpu.memory_space<hbm>>
        tpu.enqueue_dma source(%dma_start3A_244 : memref<16x512xf32, #tpu.memory_space<hbm>>) target(%dma_start3A_241 : memref<16x512xf32, #tpu.memory_space<vmem>>) target_semaphore(%arg11 : memref<!tpu.dma_semaphore, #tpu.memory_space<semaphore_mem>>)
      } else {
      }
      %dma_wait3A_156 = arith.constant 0 : i32
      %dma_wait3A_157 = arith.constant 1 : i32
      %dma_wait3A_158 = arith.constant 0 : i32
      %dma_wait3A_159 = arith.constant 0 : i32
      %dma_wait3A_160 = tpu.memref_slice %arg9[%dma_wait3A_157, %dma_wait3A_158, %dma_wait3A_159] : memref<2x16x512xf32, #tpu.memory_space<vmem>> -> memref<1x16x512xf32, #tpu.memory_space<vmem>>
      %dma_wait3A_161 = tpu.memref_squeeze %dma_wait3A_160 : memref<1x16x512xf32, #tpu.memory_space<vmem>> -> memref<16x512xf32, #tpu.memory_space<vmem>>
      %dma_wait3A_162 = arith.constant 0 : i32
      %dma_wait3A_163 = arith.constant 0 : i32
      %dma_wait3A_164 = tpu.memref_slice %arg2[%dma_wait3A_156, %dma_wait3A_162, %dma_wait3A_163] : memref<64x512x512xf32, #tpu.memory_space<hbm>> -> memref<1x16x512xf32, #tpu.memory_space<hbm>>
      %dma_wait3A_165 = tpu.memref_squeeze %dma_wait3A_164 : memref<1x16x512xf32, #tpu.memory_space<hbm>> -> memref<16x512xf32, #tpu.memory_space<hbm>>
      %dma_wait3A_166 = arith.constant 0 : i32
      %dma_wait3A_167 = arith.constant 0 : i32
      %dma_wait3A_168 = tpu.memref_slice %arg9[%dma_wait3A_157, %dma_wait3A_166, %dma_wait3A_167] : memref<2x16x512xf32, #tpu.memory_space<vmem>> -> memref<1x16x512xf32, #tpu.memory_space<vmem>>
      %dma_wait3A_169 = tpu.memref_squeeze %dma_wait3A_168 : memref<1x16x512xf32, #tpu.memory_space<vmem>> -> memref<16x512xf32, #tpu.memory_space<vmem>>
      %dma_wait3A_170 = arith.constant 0 : i32
      %dma_wait3A_171 = arith.constant 0 : i32
      %dma_wait3A_172 = tpu.memref_slice %arg2[%dma_wait3A_156, %dma_wait3A_170, %dma_wait3A_171] : memref<64x512x512xf32, #tpu.memory_space<hbm>> -> memref<1x16x512xf32, #tpu.memory_space<hbm>>
      %dma_wait3A_173 = tpu.memref_squeeze %dma_wait3A_172 : memref<1x16x512xf32, #tpu.memory_space<hbm>> -> memref<16x512xf32, #tpu.memory_space<hbm>>
      tpu.wait_dma2 semaphore(%arg12 : memref<!tpu.dma_semaphore, #tpu.memory_space<semaphore_mem>>) src(%dma_wait3A_173 : memref<16x512xf32, #tpu.memory_space<hbm>>) dst(%dma_wait3A_169 : memref<16x512xf32, #tpu.memory_space<vmem>>)
      %ge3A_174 = arith.constant 2 : i32
      %ge3A_175 = arith.cmpi sge, %add3A_101, %ge3A_174 : i32
      %convert_element_type3A_176 = arith.extui %ge3A_175 : i1 to i32
      %cond3A_177 = arith.constant 0 : i32
      %cond3A_178 = arith.cmpi ne, %convert_element_type3A_176, %cond3A_177 : i32
      scf.if %cond3A_178 {
        %dma_wait3A_217 = arith.constant 1 : i32
        %dma_wait3A_218 = arith.constant 0 : i32
        %dma_wait3A_219 = arith.constant 0 : i32
        %dma_wait3A_220 = arith.constant 0 : i32
        %dma_wait3A_221 = arith.constant 0 : i32
        %dma_wait3A_222 = tpu.memref_slice %arg10[%dma_wait3A_217, %dma_wait3A_219, %dma_wait3A_220, %dma_wait3A_221] : memref<2x3x16x512xf32, #tpu.memory_space<vmem>> -> memref<1x3x16x512xf32, #tpu.memory_space<vmem>>
        %dma_wait3A_223 = tpu.memref_squeeze %dma_wait3A_222 : memref<1x3x16x512xf32, #tpu.memory_space<vmem>> -> memref<3x16x512xf32, #tpu.memory_space<vmem>>
        %dma_wait3A_224 = arith.constant 0 : i32
        %dma_wait3A_225 = arith.constant 0 : i32
        %dma_wait3A_226 = arith.constant 0 : i32
        %dma_wait3A_227 = tpu.memref_slice %arg4[%dma_wait3A_218, %dma_wait3A_224, %dma_wait3A_225, %dma_wait3A_226] : memref<64x3x512x512xf32, #tpu.memory_space<hbm>> -> memref<1x3x16x512xf32, #tpu.memory_space<hbm>>
        %dma_wait3A_228 = tpu.memref_squeeze %dma_wait3A_227 : memref<1x3x16x512xf32, #tpu.memory_space<hbm>> -> memref<3x16x512xf32, #tpu.memory_space<hbm>>
        %dma_wait3A_229 = arith.constant 0 : i32
        %dma_wait3A_230 = arith.constant 0 : i32
        %dma_wait3A_231 = arith.constant 0 : i32
        %dma_wait3A_232 = tpu.memref_slice %arg4[%dma_wait3A_218, %dma_wait3A_229, %dma_wait3A_230, %dma_wait3A_231] : memref<64x3x512x512xf32, #tpu.memory_space<hbm>> -> memref<1x3x16x512xf32, #tpu.memory_space<hbm>>
        %dma_wait3A_233 = tpu.memref_squeeze %dma_wait3A_232 : memref<1x3x16x512xf32, #tpu.memory_space<hbm>> -> memref<3x16x512xf32, #tpu.memory_space<hbm>>
        %dma_wait3A_234 = arith.constant 0 : i32
        %dma_wait3A_235 = arith.constant 0 : i32
        %dma_wait3A_236 = arith.constant 0 : i32
        %dma_wait3A_237 = tpu.memref_slice %arg10[%dma_wait3A_217, %dma_wait3A_234, %dma_wait3A_235, %dma_wait3A_236] : memref<2x3x16x512xf32, #tpu.memory_space<vmem>> -> memref<1x3x16x512xf32, #tpu.memory_space<vmem>>
        %dma_wait3A_238 = tpu.memref_squeeze %dma_wait3A_237 : memref<1x3x16x512xf32, #tpu.memory_space<vmem>> -> memref<3x16x512xf32, #tpu.memory_space<vmem>>
        tpu.wait_dma2 semaphore(%arg14 : memref<!tpu.dma_semaphore, #tpu.memory_space<semaphore_mem>>) src(%dma_wait3A_238 : memref<3x16x512xf32, #tpu.memory_space<vmem>>) dst(%dma_wait3A_233 : memref<3x16x512xf32, #tpu.memory_space<hbm>>)
      } else {
      }
      %parallel_loop3A_179 = arith.constant 0 : i32
      %parallel_loop3A_180 = arith.constant 512 : i32
      %parallel_loop3A_181 = arith.constant 1 : i32
      scf.for %parallel_loop3A_217 = %parallel_loop3A_179 to %parallel_loop3A_180 step %parallel_loop3A_181  : i32 {
        %parallel_loop3A_218 = arith.constant 5 : i32
        %parallel_loop3A_219 = arith.shrsi %parallel_loop3A_217, %parallel_loop3A_218 : i32
        %parallel_loop3A_220 = arith.constant 31 : i32
        %parallel_loop3A_221 = arith.andi %parallel_loop3A_217, %parallel_loop3A_220 : i32
        %parallel_loop3A_222 = arith.constant 16 : i32
        %parallel_loop3A_223 = arith.muli %parallel_loop3A_221, %parallel_loop3A_222 : i32
        %parallel_loop3A_224 = arith.constant 1 : i32
        %parallel_loop3A_225 = arith.index_cast %parallel_loop3A_224 : i32 to index
        %parallel_loop3A_226 = arith.index_cast %parallel_loop3A_219 : i32 to index
        %parallel_loop3A_227 = arith.index_cast %parallel_loop3A_223 : i32 to index
        %parallel_loop3A_228 = tpu.vector_load %arg9[%parallel_loop3A_225, %parallel_loop3A_226, %parallel_loop3A_227] {strides = array<i32>} : memref<2x16x512xf32, #tpu.memory_space<vmem>>, vector<16xf32>,
        %parallel_loop3A_229 = arith.constant 4.096000e+03 : f32
        %parallel_loop3A_230 = vector.broadcast %parallel_loop3A_229 : f32 to vector<16xf32>
        %parallel_loop3A_231 = arith.mulf %parallel_loop3A_228, %parallel_loop3A_230 : vector<16xf32>
        %parallel_loop3A_232 = arith.constant 0x4B000000 : f32
        %parallel_loop3A_233 = vector.broadcast %parallel_loop3A_232 : f32 to vector<16xf32>
        %parallel_loop3A_234 = arith.addf %parallel_loop3A_231, %parallel_loop3A_233 : vector<16xf32>
        %parallel_loop3A_235 = arith.constant 0x4B000000 : f32
        %parallel_loop3A_236 = vector.broadcast %parallel_loop3A_235 : f32 to vector<16xf32>
        %parallel_loop3A_237 = arith.subf %parallel_loop3A_234, %parallel_loop3A_236 : vector<16xf32>
        %parallel_loop3A_238 = arith.fptosi %parallel_loop3A_237 : vector<16xf32> to vector<16xi32>
        %parallel_loop3A_239 = arith.constant 0 : i32
        %parallel_loop3A_240 = vector.broadcast %parallel_loop3A_239 : i32 to vector<16xi32>
        %parallel_loop3A_241 = arith.maxsi %parallel_loop3A_238, %parallel_loop3A_240 : vector<16xi32>
        %parallel_loop3A_242 = arith.constant 4095 : i32
        %parallel_loop3A_243 = vector.broadcast %parallel_loop3A_242 : i32 to vector<16xi32>
        %parallel_loop3A_244 = arith.minsi %parallel_loop3A_241, %parallel_loop3A_243 : vector<16xi32>
        %parallel_loop3A_245 = tpu.vector_load_idx %arg6[%parallel_loop3A_244] : memref<4096xf32, #tpu.memory_space<vmem>>[vector<16xi32>], vector<16xf32>,
        %parallel_loop3A_246 = arith.constant 1 : i32
        %parallel_loop3A_247 = arith.constant 0 : i32
        %parallel_loop3A_248 = arith.index_cast %parallel_loop3A_246 : i32 to index
        %parallel_loop3A_249 = arith.index_cast %parallel_loop3A_247 : i32 to index
        %parallel_loop3A_250 = arith.index_cast %parallel_loop3A_219 : i32 to index
        %parallel_loop3A_251 = arith.index_cast %parallel_loop3A_223 : i32 to index
        %parallel_loop3A_252 = tpu.vector_load %arg10[%parallel_loop3A_248, %parallel_loop3A_249, %parallel_loop3A_250, %parallel_loop3A_251] {strides = array<i32>} : memref<2x3x16x512xf32, #tpu.memory_space<vmem>>, vector<16xf32>,
        tpu.vector_store %arg10[%parallel_loop3A_248, %parallel_loop3A_249, %parallel_loop3A_250, %parallel_loop3A_251], %parallel_loop3A_245 {strides = array<i32>} : memref<2x3x16x512xf32, #tpu.memory_space<vmem>>, vector<16xf32>,
        %parallel_loop3A_253 = tpu.vector_load_idx %arg7[%parallel_loop3A_244] : memref<4096xf32, #tpu.memory_space<vmem>>[vector<16xi32>], vector<16xf32>,
        %parallel_loop3A_254 = arith.constant 1 : i32
        %parallel_loop3A_255 = arith.constant 1 : i32
        %parallel_loop3A_256 = arith.index_cast %parallel_loop3A_254 : i32 to index
        %parallel_loop3A_257 = arith.index_cast %parallel_loop3A_255 : i32 to index
        %parallel_loop3A_258 = arith.index_cast %parallel_loop3A_219 : i32 to index
        %parallel_loop3A_259 = arith.index_cast %parallel_loop3A_223 : i32 to index
        %parallel_loop3A_260 = tpu.vector_load %arg10[%parallel_loop3A_256, %parallel_loop3A_257, %parallel_loop3A_258, %parallel_loop3A_259] {strides = array<i32>} : memref<2x3x16x512xf32, #tpu.memory_space<vmem>>, vector<16xf32>,
        tpu.vector_store %arg10[%parallel_loop3A_256, %parallel_loop3A_257, %parallel_loop3A_258, %parallel_loop3A_259], %parallel_loop3A_253 {strides = array<i32>} : memref<2x3x16x512xf32, #tpu.memory_space<vmem>>, vector<16xf32>,
        %parallel_loop3A_261 = tpu.vector_load_idx %arg8[%parallel_loop3A_244] : memref<4096xf32, #tpu.memory_space<vmem>>[vector<16xi32>], vector<16xf32>,
        %parallel_loop3A_262 = arith.constant 1 : i32
        %parallel_loop3A_263 = arith.constant 2 : i32
        %parallel_loop3A_264 = arith.index_cast %parallel_loop3A_262 : i32 to index
        %parallel_loop3A_265 = arith.index_cast %parallel_loop3A_263 : i32 to index
        %parallel_loop3A_266 = arith.index_cast %parallel_loop3A_219 : i32 to index
        %parallel_loop3A_267 = arith.index_cast %parallel_loop3A_223 : i32 to index
        %parallel_loop3A_268 = tpu.vector_load %arg10[%parallel_loop3A_264, %parallel_loop3A_265, %parallel_loop3A_266, %parallel_loop3A_267] {strides = array<i32>} : memref<2x3x16x512xf32, #tpu.memory_space<vmem>>, vector<16xf32>,
        tpu.vector_store %arg10[%parallel_loop3A_264, %parallel_loop3A_265, %parallel_loop3A_266, %parallel_loop3A_267], %parallel_loop3A_261 {strides = array<i32>} : memref<2x3x16x512xf32, #tpu.memory_space<vmem>>, vector<16xf32>,
      } {sc.loop_unroll_factor = 16 : i64, sc.parallel_access}
      %add3A_182 = arith.constant 1 : i32
      %add3A_183 = arith.addi %add3A_101, %add3A_182 : i32
      %mul3A_184 = arith.constant 2 : i32
      %mul3A_185 = arith.muli %add3A, %mul3A_184 : i32
      %shift_right_arithmetic3A_186 = arith.constant 5 : i32
      %shift_right_arithmetic3A_187 = arith.shrsi %add3A_183, %shift_right_arithmetic3A_186 : i32
      %add3A_188 = arith.addi %mul3A_185, %shift_right_arithmetic3A_187 : i32
      %and3A_189 = arith.constant 31 : i32
      %and3A_190 = arith.andi %add3A_183, %and3A_189 : i32
      %mul3A_191 = arith.constant 16 : i32
      %mul3A_192 = arith.muli %and3A_190, %mul3A_191 : i32
      %dma_start3A_193 = arith.constant 1 : i32
      %dma_start3A_194 = arith.constant 0 : i32
      %dma_start3A_195 = arith.constant 0 : i32
      %dma_start3A_196 = arith.constant 0 : i32
      %dma_start3A_197 = tpu.memref_slice %arg10[%dma_start3A_193, %dma_start3A_194, %dma_start3A_195, %dma_start3A_196] : memref<2x3x16x512xf32, #tpu.memory_space<vmem>> -> memref<1x3x16x512xf32, #tpu.memory_space<vmem>>
      %dma_start3A_198 = tpu.memref_squeeze %dma_start3A_197 : memref<1x3x16x512xf32, #tpu.memory_space<vmem>> -> memref<3x16x512xf32, #tpu.memory_space<vmem>>
      %dma_start3A_199 = arith.constant 0 : i32
      %dma_start3A_200 = arith.constant 0 : i32
      %dma_start3A_201 = tpu.memref_slice %arg4[%add3A_188, %dma_start3A_199, %mul3A_192, %dma_start3A_200] : memref<64x3x512x512xf32, #tpu.memory_space<hbm>> -> memref<1x3x16x512xf32, #tpu.memory_space<hbm>>
      %dma_start3A_202 = tpu.memref_squeeze %dma_start3A_201 : memref<1x3x16x512xf32, #tpu.memory_space<hbm>> -> memref<3x16x512xf32, #tpu.memory_space<hbm>>
      %dma_start3A_203 = arith.constant 0 : i32
      %dma_start3A_204 = arith.constant 0 : i32
      %dma_start3A_205 = tpu.memref_slice %arg4[%add3A_188, %dma_start3A_203, %mul3A_192, %dma_start3A_204] : memref<64x3x512x512xf32, #tpu.memory_space<hbm>> -> memref<1x3x16x512xf32, #tpu.memory_space<hbm>>
      %dma_start3A_206 = tpu.memref_squeeze %dma_start3A_205 : memref<1x3x16x512xf32, #tpu.memory_space<hbm>> -> memref<3x16x512xf32, #tpu.memory_space<hbm>>
      %dma_start3A_207 = arith.constant 0 : i32
      %dma_start3A_208 = arith.constant 0 : i32
      %dma_start3A_209 = arith.constant 0 : i32
      %dma_start3A_210 = tpu.memref_slice %arg10[%dma_start3A_193, %dma_start3A_207, %dma_start3A_208, %dma_start3A_209] : memref<2x3x16x512xf32, #tpu.memory_space<vmem>> -> memref<1x3x16x512xf32, #tpu.memory_space<vmem>>
      %dma_start3A_211 = tpu.memref_squeeze %dma_start3A_210 : memref<1x3x16x512xf32, #tpu.memory_space<vmem>> -> memref<3x16x512xf32, #tpu.memory_space<vmem>>
      tpu.enqueue_dma source(%dma_start3A_211 : memref<3x16x512xf32, #tpu.memory_space<vmem>>) target(%dma_start3A_206 : memref<3x16x512xf32, #tpu.memory_space<hbm>>) target_semaphore(%arg14 : memref<!tpu.dma_semaphore, #tpu.memory_space<semaphore_mem>>)
      %lt3A_212 = arith.constant 62 : i32
      %lt3A_213 = arith.cmpi slt, %add3A_101, %lt3A_212 : i32
      %convert_element_type3A_214 = arith.extui %lt3A_213 : i1 to i32
      %cond3A_215 = arith.constant 0 : i32
      %cond3A_216 = arith.cmpi ne, %convert_element_type3A_214, %cond3A_215 : i32
      scf.if %cond3A_216 {
        %add3A_217 = arith.constant 1 : i32
        %add3A_218 = arith.addi %add3A_101, %add3A_217 : i32
        %add3A_219 = arith.constant 2 : i32
        %add3A_220 = arith.addi %add3A_218, %add3A_219 : i32
        %mul3A_221 = arith.constant 2 : i32
        %mul3A_222 = arith.muli %add3A, %mul3A_221 : i32
        %shift_right_arithmetic3A_223 = arith.constant 5 : i32
        %shift_right_arithmetic3A_224 = arith.shrsi %add3A_220, %shift_right_arithmetic3A_223 : i32
        %add3A_225 = arith.addi %mul3A_222, %shift_right_arithmetic3A_224 : i32
        %and3A_226 = arith.constant 31 : i32
        %and3A_227 = arith.andi %add3A_220, %and3A_226 : i32
        %mul3A_228 = arith.constant 16 : i32
        %mul3A_229 = arith.muli %and3A_227, %mul3A_228 : i32
        %dma_start3A_230 = arith.constant 1 : i32
        %dma_start3A_231 = arith.constant 0 : i32
        %dma_start3A_232 = arith.constant 0 : i32
        %dma_start3A_233 = tpu.memref_slice %arg9[%dma_start3A_230, %dma_start3A_231, %dma_start3A_232] : memref<2x16x512xf32, #tpu.memory_space<vmem>> -> memref<1x16x512xf32, #tpu.memory_space<vmem>>
        %dma_start3A_234 = tpu.memref_squeeze %dma_start3A_233 : memref<1x16x512xf32, #tpu.memory_space<vmem>> -> memref<16x512xf32, #tpu.memory_space<vmem>>
        %dma_start3A_235 = arith.constant 0 : i32
        %dma_start3A_236 = tpu.memref_slice %arg2[%add3A_225, %mul3A_229, %dma_start3A_235] : memref<64x512x512xf32, #tpu.memory_space<hbm>> -> memref<1x16x512xf32, #tpu.memory_space<hbm>>
        %dma_start3A_237 = tpu.memref_squeeze %dma_start3A_236 : memref<1x16x512xf32, #tpu.memory_space<hbm>> -> memref<16x512xf32, #tpu.memory_space<hbm>>
        %dma_start3A_238 = arith.constant 0 : i32
        %dma_start3A_239 = arith.constant 0 : i32
        %dma_start3A_240 = tpu.memref_slice %arg9[%dma_start3A_230, %dma_start3A_238, %dma_start3A_239] : memref<2x16x512xf32, #tpu.memory_space<vmem>> -> memref<1x16x512xf32, #tpu.memory_space<vmem>>
        %dma_start3A_241 = tpu.memref_squeeze %dma_start3A_240 : memref<1x16x512xf32, #tpu.memory_space<vmem>> -> memref<16x512xf32, #tpu.memory_space<vmem>>
        %dma_start3A_242 = arith.constant 0 : i32
        %dma_start3A_243 = tpu.memref_slice %arg2[%add3A_225, %mul3A_229, %dma_start3A_242] : memref<64x512x512xf32, #tpu.memory_space<hbm>> -> memref<1x16x512xf32, #tpu.memory_space<hbm>>
        %dma_start3A_244 = tpu.memref_squeeze %dma_start3A_243 : memref<1x16x512xf32, #tpu.memory_space<hbm>> -> memref<16x512xf32, #tpu.memory_space<hbm>>
        tpu.enqueue_dma source(%dma_start3A_244 : memref<16x512xf32, #tpu.memory_space<hbm>>) target(%dma_start3A_241 : memref<16x512xf32, #tpu.memory_space<vmem>>) target_semaphore(%arg12 : memref<!tpu.dma_semaphore, #tpu.memory_space<semaphore_mem>>)
      } else {
      }
    }
    %scan3A_53 = arith.constant 32 : i32
    %dma_wait3A = arith.constant 0 : i32
    %dma_wait3A_54 = arith.constant 0 : i32
    %dma_wait3A_55 = arith.constant 0 : i32
    %dma_wait3A_56 = arith.constant 0 : i32
    %dma_wait3A_57 = arith.constant 0 : i32
    %dma_wait3A_58 = tpu.memref_slice %arg10[%dma_wait3A, %dma_wait3A_55, %dma_wait3A_56, %dma_wait3A_57] : memref<2x3x16x512xf32, #tpu.memory_space<vmem>> -> memref<1x3x16x512xf32, #tpu.memory_space<vmem>>
    %dma_wait3A_59 = tpu.memref_squeeze %dma_wait3A_58 : memref<1x3x16x512xf32, #tpu.memory_space<vmem>> -> memref<3x16x512xf32, #tpu.memory_space<vmem>>
    %dma_wait3A_60 = arith.constant 0 : i32
    %dma_wait3A_61 = arith.constant 0 : i32
    %dma_wait3A_62 = arith.constant 0 : i32
    %dma_wait3A_63 = tpu.memref_slice %arg4[%dma_wait3A_54, %dma_wait3A_60, %dma_wait3A_61, %dma_wait3A_62] : memref<64x3x512x512xf32, #tpu.memory_space<hbm>> -> memref<1x3x16x512xf32, #tpu.memory_space<hbm>>
    %dma_wait3A_64 = tpu.memref_squeeze %dma_wait3A_63 : memref<1x3x16x512xf32, #tpu.memory_space<hbm>> -> memref<3x16x512xf32, #tpu.memory_space<hbm>>
    %dma_wait3A_65 = arith.constant 0 : i32
    %dma_wait3A_66 = arith.constant 0 : i32
    %dma_wait3A_67 = arith.constant 0 : i32
    %dma_wait3A_68 = tpu.memref_slice %arg4[%dma_wait3A_54, %dma_wait3A_65, %dma_wait3A_66, %dma_wait3A_67] : memref<64x3x512x512xf32, #tpu.memory_space<hbm>> -> memref<1x3x16x512xf32, #tpu.memory_space<hbm>>
    %dma_wait3A_69 = tpu.memref_squeeze %dma_wait3A_68 : memref<1x3x16x512xf32, #tpu.memory_space<hbm>> -> memref<3x16x512xf32, #tpu.memory_space<hbm>>
    %dma_wait3A_70 = arith.constant 0 : i32
    %dma_wait3A_71 = arith.constant 0 : i32
    %dma_wait3A_72 = arith.constant 0 : i32
    %dma_wait3A_73 = tpu.memref_slice %arg10[%dma_wait3A, %dma_wait3A_70, %dma_wait3A_71, %dma_wait3A_72] : memref<2x3x16x512xf32, #tpu.memory_space<vmem>> -> memref<1x3x16x512xf32, #tpu.memory_space<vmem>>
    %dma_wait3A_74 = tpu.memref_squeeze %dma_wait3A_73 : memref<1x3x16x512xf32, #tpu.memory_space<vmem>> -> memref<3x16x512xf32, #tpu.memory_space<vmem>>
    tpu.wait_dma2 semaphore(%arg13 : memref<!tpu.dma_semaphore, #tpu.memory_space<semaphore_mem>>) src(%dma_wait3A_74 : memref<3x16x512xf32, #tpu.memory_space<vmem>>) dst(%dma_wait3A_69 : memref<3x16x512xf32, #tpu.memory_space<hbm>>)
    %dma_wait3A_75 = arith.constant 1 : i32
    %dma_wait3A_76 = arith.constant 0 : i32
    %dma_wait3A_77 = arith.constant 0 : i32
    %dma_wait3A_78 = arith.constant 0 : i32
    %dma_wait3A_79 = arith.constant 0 : i32
    %dma_wait3A_80 = tpu.memref_slice %arg10[%dma_wait3A_75, %dma_wait3A_77, %dma_wait3A_78, %dma_wait3A_79] : memref<2x3x16x512xf32, #tpu.memory_space<vmem>> -> memref<1x3x16x512xf32, #tpu.memory_space<vmem>>
    %dma_wait3A_81 = tpu.memref_squeeze %dma_wait3A_80 : memref<1x3x16x512xf32, #tpu.memory_space<vmem>> -> memref<3x16x512xf32, #tpu.memory_space<vmem>>
    %dma_wait3A_82 = arith.constant 0 : i32
    %dma_wait3A_83 = arith.constant 0 : i32
    %dma_wait3A_84 = arith.constant 0 : i32
    %dma_wait3A_85 = tpu.memref_slice %arg4[%dma_wait3A_76, %dma_wait3A_82, %dma_wait3A_83, %dma_wait3A_84] : memref<64x3x512x512xf32, #tpu.memory_space<hbm>> -> memref<1x3x16x512xf32, #tpu.memory_space<hbm>>
    %dma_wait3A_86 = tpu.memref_squeeze %dma_wait3A_85 : memref<1x3x16x512xf32, #tpu.memory_space<hbm>> -> memref<3x16x512xf32, #tpu.memory_space<hbm>>
    %dma_wait3A_87 = arith.constant 0 : i32
    %dma_wait3A_88 = arith.constant 0 : i32
    %dma_wait3A_89 = arith.constant 0 : i32
    %dma_wait3A_90 = tpu.memref_slice %arg4[%dma_wait3A_76, %dma_wait3A_87, %dma_wait3A_88, %dma_wait3A_89] : memref<64x3x512x512xf32, #tpu.memory_space<hbm>> -> memref<1x3x16x512xf32, #tpu.memory_space<hbm>>
    %dma_wait3A_91 = tpu.memref_squeeze %dma_wait3A_90 : memref<1x3x16x512xf32, #tpu.memory_space<hbm>> -> memref<3x16x512xf32, #tpu.memory_space<hbm>>
    %dma_wait3A_92 = arith.constant 0 : i32
    %dma_wait3A_93 = arith.constant 0 : i32
    %dma_wait3A_94 = arith.constant 0 : i32
    %dma_wait3A_95 = tpu.memref_slice %arg10[%dma_wait3A_75, %dma_wait3A_92, %dma_wait3A_93, %dma_wait3A_94] : memref<2x3x16x512xf32, #tpu.memory_space<vmem>> -> memref<1x3x16x512xf32, #tpu.memory_space<vmem>>
    %dma_wait3A_96 = tpu.memref_squeeze %dma_wait3A_95 : memref<1x3x16x512xf32, #tpu.memory_space<vmem>> -> memref<3x16x512xf32, #tpu.memory_space<vmem>>
    tpu.wait_dma2 semaphore(%arg14 : memref<!tpu.dma_semaphore, #tpu.memory_space<semaphore_mem>>) src(%dma_wait3A_96 : memref<3x16x512xf32, #tpu.memory_space<vmem>>) dst(%dma_wait3A_91 : memref<3x16x512xf32, #tpu.memory_space<hbm>>)
    return
  }
}

</mosaic_0001>

<sc_bundles>
// kernel: _colormap_sc.3.cloned.1.call-start
scs
__scs_entry_jumppad:
0x0: {  	(pc) =	sbr.rel $0x88, $3  }
0x1: {  	(tag) =	ssettag $0x0;
	lr =	simm.s32 $0x1  }
0x2: {  	[smem:$0x3F9F] =	sst lr;
	_ =	strace $0xD0000000  }
0x3: {  	_ = 	snop  }
0x4: {  	_ = 	snop  }
0x5: {  	_ = 	snop  }
0x6: {  	_ = 	snop  }
0x7: {  	_ = 	snop  }
__scs_overlays_trampoline_lowered:
0x8: {  	[smem:$0x3FAE] =	sst s0  }
0x9: {  	[smem:$0x3FAF] =	sst s1  }
0xa: {  	[smem:$0x3FB0] =	sst s2  }
0xb: {  	[smem:$0x3FB1] =	sst s3  }
0xc: {  	[smem:$0x3FB2] =	sst s4  }
0xd: {  	[smem:$0x3FB3] =	sst s5  }
0xe: {  	[smem:$0x3FB4] =	sst s6  }
0xf: {  	[smem:$0x3FB5] =	sst s7  }
0x10: {  	[smem:$0x3FB6] =	sst s8  }
0x11: {  	[smem:$0x3FB7] =	sst s9;
	s0 =	simm.s32 @!p0 $0x0  }
0x12: {  	s1 =	sld [smem:$0x3F9D];
	s0 =	simm.s32 @p0 $0x1  }
0x13: {  	[smem:$0x3FB8] =	sst s0;
	s0 =	simm.s32 @!p1 $0x0  }
0x14: {  	s2 =	sld [smem:$0x3F9C];
	s0 =	simm.s32 @p1 $0x1  }
0x15: {  	[smem:$0x3FB9] =	sst s0;
	s0 =	simm.s32 @!p2 $0x0  }
0x16: {  	s3 =	sld [smem:$0x3FDB];
	s0 =	simm.s32 @p2 $0x1  }
0x17: {  	s4 =	simm.s32 $0x1BF5;
	[smem:$0x3FBB] =	sst s0  }
0x18: {  	s0 =	sld [smem:$0x3F9E];
	_ =	swait.ge [sflag:s4], $0x0  }
0x19: {  	s7 =	sld [smem:$0x3F9F]  }
0x1a: {  	s8 =	sadd.s32 $0xFFFFE003, lr  }
0x1b: {  	s9 =	sadd.s32 $0xFFFFFEF7, lr;
	s5 =	simm.s32 $0xFFFFFFFF;
	p2 =	slt.u32 s8, $0xFFFFF086  }
0x1c: {  	p1 =	slt.u32 s9, $0xF7A;
	s5 =	simm.s32 @!p2 $0x0  }
0x1d: {  	s5 =	simm.s32 @p1 $0x1;
	p0 =	seq.s32 s7, s2  }
0x1e: {  	s7 =	smul.u32 @!p0 $0xF7A, s2;
	p2 =	seq.s32 @!p0 s5, $0x0  }
0x1f: {  	s9 =	smul.u32 $0xF7A, s1;
	s8 =	simm.s32 @!p0 $0x1BF5;
	p2 =	por !p2, p0  }
0x20: {  	[sflag:s8] =	ssyncset.s32 @!p0 $0xFFFFF086;
	s6 =	sadd.s32 @!p0 s3, s7;
	s7 =	simm.s32 @!p0 $0x108  }
0x21: {  	s3 =	sadd.s32 s3, s9;
	s6 =	sadd.s32 @!p0 $0x88, s6;
	s7 =	simm.s32 @p2 $0x1082  }
0x22: {  	[simem:s7], [sflag:s8] =	dma.local @!p0 [hbm:s6], $0xF7A  }
0x23: {  	s9 =	sor.u32 $0xD0000000, s2;
	s6 =	simm.s32 $0x108;
	_ =	swait.ge @!p0 [sflag:s8], $0x0  }
0x24: {  	s3 =	sadd.s32 $0x88, s3;
	s6 =	simm.s32 @!p1 $0x1082;
	[sflag:s4] =	ssyncset.s32 $0xFFFFF086  }
0x25: {  	[simem:s6], [sflag:s4] =	dma.local [hbm:s3], $0xF7A  }
0x26: {  	[smem:$0x3F9F] =	sst s1;
	(tag) =	ssettag s2;
	_ =	strace s9  }
0x27: {  	s1 =	sld [smem:$0x3FAF]  }
0x28: {  	s2 =	sld [smem:$0x3FB0]  }
0x29: {  	s4 =	sld [smem:$0x3FB2]  }
0x2a: {  	p0 =	seq.s32 s5, $0x0;
	s5 =	sld [smem:$0x3FB3]  }
0x2b: {  	s6 =	sld [smem:$0x3FB4]  }
0x2c: {  	s7 =	sld [smem:$0x3FB5]  }
0x2d: {  	s3 =	simm.s32 $0x108;
	s8 =	sld [smem:$0x3FB6]  }
0x2e: {  	s3 =	simm.s32 @!p0 $0x1082;
	s9 =	sld [smem:$0x3FB7]  }
0x2f: {  	lr =	sadd.s32 s0, s3;
	s0 =	sld [smem:$0x3FAE]  }
0x30: {  	s3 =	sld [smem:$0x3FB1]  }
0x31: {  	[smem:$0x3FBA] =	sst s10  }
0x32: {  	s10 =	sld [smem:$0x3FB8];
	_ =	sdelay $0x3  }
0x33: {  	p0 =	seq.s32 s10, $0x1;
	s10 =	sld [smem:$0x3FBA];
	_ =	sdelay $0x3  }
0x34: {  	[smem:$0x3FBA] =	sst s10  }
0x35: {  	s10 =	sld [smem:$0x3FB9];
	_ =	sdelay $0x3  }
0x36: {  	p1 =	seq.s32 s10, $0x1;
	s10 =	sld [smem:$0x3FBA];
	_ =	sdelay $0x3  }
0x37: {  	[smem:$0x3FBA] =	sst s10  }
0x38: {  	s10 =	sld [smem:$0x3FBB]  }
0x39: {  	_ = 	snop;
	(pc) =	sbr.ind lr, $3  }
0x3a: {  	_ = 	snop  }
0x3b: {  	_ = 	snop  }
0x3c: {  	p2 =	seq.s32 s10, $0x1;
	s10 =	sld [smem:$0x3FBA]  }
0x3d: {  	_ =	shalt  }
0x3e: {  	_ =	shalt  }
0x3f: {  	_ =	shalt  }
0x40: {  	_ =	shalt  }
0x41: {  	_ =	shalt  }
0x42: {  	_ =	shalt  }
0x43: {  	_ =	shalt  }
0x44: {  	_ =	shalt  }
0x45: {  	_ =	shalt  }
0x46: {  	_ =	shalt  }
0x47: {  	_ =	shalt  }
0x48: {  	_ =	shalt  }
0x49: {  	_ =	shalt  }
0x4a: {  	_ =	shalt  }
0x4b: {  	_ =	shalt  }
0x4c: {  	_ =	shalt  }
0x4d: {  	_ =	shalt  }
0x4e: {  	_ =	shalt  }
0x4f: {  	_ =	shalt  }
0x50: {  	_ =	shalt  }
0x51: {  	_ =	shalt  }
0x52: {  	_ =	shalt  }
0x53: {  	_ =	shalt  }
0x54: {  	_ =	shalt  }
0x55: {  	_ =	shalt  }
0x56: {  	_ =	shalt  }
0x57: {  	_ =	shalt  }
0x58: {  	_ =	shalt  }
0x59: {  	_ =	shalt  }
0x5a: {  	_ =	shalt  }
0x5b: {  	_ =	shalt  }
0x5c: {  	_ =	shalt  }
0x5d: {  	_ =	shalt  }
0x5e: {  	_ =	shalt  }
0x5f: {  	_ =	shalt  }
0x60: {  	_ =	shalt  }
0x61: {  	_ =	shalt  }
0x62: {  	_ =	shalt  }
0x63: {  	_ =	shalt  }
0x64: {  	_ =	shalt  }
0x65: {  	_ =	shalt  }
0x66: {  	_ =	shalt  }
0x67: {  	_ =	shalt  }
0x68: {  	_ =	shalt  }
0x69: {  	_ =	shalt  }
0x6a: {  	_ =	shalt  }
0x6b: {  	_ =	shalt  }
0x6c: {  	_ =	shalt  }
0x6d: {  	_ =	shalt  }
0x6e: {  	_ =	shalt  }
0x6f: {  	_ =	shalt  }
0x70: {  	_ =	shalt  }
0x71: {  	_ =	shalt  }
0x72: {  	_ =	shalt  }
0x73: {  	_ =	shalt  }
0x74: {  	_ =	shalt  }
0x75: {  	_ =	shalt  }
0x76: {  	_ =	shalt  }
0x77: {  	_ =	shalt  }
0x78: {  	_ =	shalt  }
0x79: {  	_ =	shalt  }
0x7a: {  	_ =	shalt  }
0x7b: {  	_ =	shalt  }
0x7c: {  	_ =	shalt  }
0x7d: {  	_ =	shalt  }
0x7e: {  	_ =	shalt  }
0x7f: {  	_ =	shalt  }
0x80: {  	_ =	shalt  }
0x81: {  	_ =	shalt  }
0x82: {  	_ =	shalt  }
0x83: {  	_ =	shalt  }
0x84: {  	_ =	shalt  }
0x85: {  	_ =	shalt  }
0x86: {  	_ =	shalt  }
0x87: {  	_ =	shalt  }
.Lfunc_end0:
.L_simem_size_0:
called_computation_lowered:
.L_overlay_start_0:
0x88: {  	s2 =	sld [smem:$0x3FD9]  }
0x89: {  	s3 =	sld [smem:$0x3FFE];
	_ =	sdelay $0x1  }
0x8a: {  	s1 =	srdreg.scid  }
0x8b: {  	s0 =	sand.u32 $0x1, s1  }
0x8c: {  	s18 =	sshll.u32 s0, $0xA;
	s2 =	sadd.s32 s3, s2  }
0x8d: {  	s2 =	sadd.s32 s2, s18  }
0x8e: {  	[smem:$0x3FC6] =	sst s2  }
0x8f: {  	_ = 	snop  }
0x90: {  	s2 =	sld [smem:$0x3FC9]  }
0x91: {  	s19 =	sld [smem:$0x3FC8]  }
0x92: {  	s4 =	sld [smem:$0x3FD0];
	(tm) =	ssettm $0x1  }
0x93: {  	s5 =	sld [smem:$0x3FFB];
	_ =	sdelay $0x3  }
0x94: {  	_ =	strace s5  }
0x95: {  	s5 =	sld [smem:$0x3FFC];
	_ =	sdelay $0x3  }
0x96: {  	_ =	strace s5  }
0x97: {  	s5 =	sld [smem:$0x3FFD];
	_ =	sdelay $0x3  }
0x98: {  	_ =	strace s5  }
0x99: {  	_ =	strace $0x8FFFFFFF  }
0x9a: {  	s20 =	sld [smem:$0x3FDB];
	_ =	sdelay $0x1  }
0x9b: {  	s6 =	simm.s32 $_scs_section_size  }
0x9c: {  	s7 =	simm.s32 $_size__tile_overlayer_lowered;
	s8 =	simm.s32 $_tile_overlayer_lowered  }
0x9d: {  	s23 =	simm.s32 $0x1BFF;
	s22 =	sshll.u32 s8, $0x1;
	s5 =	sadd.s32 s6, s20  }
0x9e: {  	s9 =	simm.s32 $0x0;
	s21 =	sshll.u32 s7, $0x1;
	s7 =	sadd.s32 s22, s5  }
0x9f: {  	[timem:s9], [sflag:s23] =	dma.local [hbm:s7], s21  }
0xa0: {  	_ =	swait.ge [sflag:s23], s21  }
0xa1: {  	s6 =	ssub.s32 $0x0, s21;
	[sflag:s23] =	ssyncset.done $0x0  }
0xa2: {  	[sflag:s23] =	ssyncadd.s32 s6;
	_ =	sdelay $0x1  }
0xa3: {  	s24 =	simm.s32 $0x1B8B  }
0xa4: {  	_ =	swait.ge [sflag:s24], $0x1  }
0xa5: {  	[sflag:s24] =	ssyncset.done $0x0  }
0xa6: {  	s25 =	simm.s32 $0x1B8E;
	[sflag:s24] =	ssyncadd.s32 $0xFFFFFFFF  }
0xa7: {  	s26 =	simm.s32 $execute0_lowered;
	[smem:$0x3FD2] =	sst s25  }
0xa8: {  	s6 =	sshll.u32 s26, $0x1;
	_ =	strace $0x80000046;
	[dreg:$0x1] =	wrdreg $0xFFFFFFFF  }
0xa9: {  	s28 =	simm.s32 $_size_execute0_lowered;
	s5 =	sadd.s32 s5, s6;
	[dreg:$0x0] =	wrdreg $0x0  }
0xaa: {  	s6 =	sshll.u32 s28, $0x1;
	[dreg:$0x2] =	wrdreg s5  }
0xab: {  	[dreg:$0x3] =	wrdreg s6  }
0xac: {  	[dreg:$0x4] =	wrdreg $0xC0  }
0xad: {  	_ =	task [dreg:s9], $0x5FFFF  }
0xae: {  	[dreg:$0x1] =	wrdreg $0xFFFFFFFF  }
0xaf: {  	[dreg:$0x0] =	wrdreg $0x60  }
0xb0: {  	[dreg:$0x2] =	wrdreg s2  }
0xb1: {  	[dreg:$0x3] =	wrdreg s19  }
0xb2: {  	[dreg:$0x4] =	wrdreg s4  }
0xb3: {  	[dreg:$0x5] =	wrdreg $0x9  }
0xb4: {  	_ =	task.clear_ibuf [dreg:s9], $0x6FFFF;
	_ =	strace $0x90000046  }
0xb5: {  	s29 =	simm.s32 $0x9;
	_ =	strace $0x80000048  }
0xb6: {  	_ =	swait.ge [sflag:s29], $0x1  }
0xb7: {  	[sflag:s29] =	ssyncadd.s32 $0xFFFFFFFF  }
0xb8: {  	_ =	strace $0x90000048  }
0xb9: {  	_ =	sfence  }
0xba: {  	s30 =	sld [smem:$0x0];
	_ =	sdelay $0x2  }
0xbb: {  	s31 =	sshll.u32 s1, $0xD;
	s1 =	sshrl.u32 s1, $0x2  }
0xbc: {  	s3 =	sand.u32 $0x4000, s31;
	s1 =	sadd.s32 s1, s30  }
0xbd: {  	s0 =	sor.u32 s3, s0;
	s1 =	sshll.u32 s1, $0x11  }
0xbe: {  	s0 =	sor.u32 s1, s0  }
0xbf: {  	s0 =	sadd.s32 $0x8F2B, s0  }
0xc0: {  	[sflag:s0] =	ssyncadd.remote.s32 $0x1  }
0xc1: {  	_ =	sfence.sel $0xFFFF  }
0xc2: {  	[dreg:$0x0] =	wrdreg $0xFFFFFFFF;
	(pc) =	sbr.abs _section_cstart, $3  }
0xc3: {  	[dreg:$0x1] =	wrdreg $0xFFFFFFFF  }
0xc4: {  	_ =	task.clear_ibuf [dreg:s9], $0x2FFFF;
	_ =	strace $0x9FFFFFFF  }
0xc5: {  	(tm) =	ssettm $0x7FFFFFFF  }
tec
execute0_lowered:
.L_overlay_start_1:
0x0: {  	(tag) =	ssettag $0x1  }
0x1: {  	s3 =	rddreg [dreg:$0x0];
	s0 =	srdreg.scid  }
0x2: {  	s1 =	stileid.u32;
	s21 =	rddreg [dreg:$0x2];
	s4 =	simm.s32 $0x0  }
0x3: {  	s13 =	simm.s32 $0x1;
	s14 =	simm.s32 $0x3000;
	s0 =	sand.u32 $0x1, s0  }
0x4: {  	s15 =	simm.s32 $0x4000;
	s1 =	sshll.u32 s1, $0x2;
	s2 =	sshll.u32 s0, $0x1  }
0x5: {  	s16 =	simm.s32 $0x5000;
	s0 =	ssub.s32 $0x2, s0;
	s5 =	sor.u32 s2, s1  }
.Ltmp0:
0x6: {  	s30 =	sshrl.u32 s0, $0x1;
	s2 =	sshll.u32 s5, $0xF;
	(pc) =	sbr.rel .LBB2_1-.Ltmp0, $4  }
0x7: {  	v0 =	vlaneseq.u32;
	[smem:$0x7FF] =	sst s4;
	s0 =	ssub.s32 s0, s30;
	s31 =	sadd.s32 s3, s2  }
0x8: {  	v0 =	vmul.u32 $0x3, v0;
	_ =	strace $0x80000047;
	s0 =	smax.u32 s0, $0x1;
	[dreg:$0x4] =	wrdreg s31  }
0x9: {  	s20 =	simm.s32 $0x2;
	s1 =	sadd.s32 $0x400, s31;
	[dreg:$0x6] =	wrdreg s0  }
0xa: {  	s25 =	simm.s32 $0x0;
	v1 =	vadd.s32 $0x1, v0;
	v2 =	vadd.s32 $0x2, v0;
	s2 =	simm.s32 $0x0;
	[dreg:$0x5] =	wrdreg s1  }
.LBB2_14:
0xb: {  	s0 =	simm.s32 $0x3  }
0xc: {  	_ =	swait.ge [sflag:s0], $0x6000  }
0xd: {  	[sflag:s0] =	ssyncset.done $0x0  }
0xe: {  	s1 =	simm.s32 $0x4;
	[sflag:s0] =	ssyncadd.s32 $0xFFFFA000  }
0xf: {  	_ =	swait.ge [sflag:s1], $0x6000  }
0x10: {  	s2 =	rddreg [dreg:$0x7]  }
0x11: {  	s31 =	rddreg [dreg:$0x6];
	s2 =	sadd.s32 $0x1, s2  }
0x12: {  	p0 =	sne.s32 s2, s31  }
.Ltmp1:
0x13: {  	_ = 	snop;
	(pc) =	sbr.rel @!p0 .LBB2_15-.Ltmp1, $3  }
0x14: {  	_ =	sdelay $0x1  }
0x15: {  	[sflag:s1] =	ssyncset.done $0x0  }
0x16: {  	[sflag:s1] =	ssyncadd.s32 $0xFFFFA000  }
.LBB2_1:
0x17: {  	[dreg:$0x7] =	wrdreg s2  }
0x18: {  	s3 =	simm.s32 $0x0;
	s0 =	rddreg [dreg:$0x4];
	s1 =	simm.s32 $0x6000  }
0x19: {  	[tilespmem:s1], [sflag:$0x1] =	stream.linear.gather [hbm4b:s0+s3], $0x2000, $0x38;
	[tilespmem:$0x16000] =	vst v63  }
0x1a: {  	s26 =	rddreg [dreg:$0x5];
	s28 =	simm.s32 $0x8000  }
0x1b: {  	[tilespmem:s28], [sflag:$0x2] =	stream.linear.gather [hbm4b:s26+s3], $0x2000, $0x38;
	[tilespmem:$0x16000] =	vst v63  }
0x1c: {  	s29 =	rddreg [dreg:$0x1];
	s30 =	simm.s32 $0x5;
	v3 =	vadd.s32 s3, v0  }
0x1d: {  	[tilespmem:s3], [sflag:$0x5] =	stream.linear.gather [hbm4b:s29+s3], $0x3000, $0x38;
	[tilespmem:$0x16000] =	vst v63  }
0x1e: {  	_ =	swait.ge [sflag:s30], $0x3000  }
0x1f: {  	[sflag:s30] =	ssyncset.done $0x0  }
0x20: {  	[sflag:s30] =	ssyncadd.s32 $0xFFFFD000  }
0x21: {  	v3 =	vld.idx.msk [tilespmem:v3+s3+$0x0], $0xffff  }
0x22: {  	v4 =	vadd.s32 s3, v1;
	_ =	sdelay $0x3  }
0x23: {  	[tilespmem:s14+$0x0] =	vst v3  }
0x24: {  	v3 =	vld.idx.msk [tilespmem:v4+s3+$0x0], $0xffff  }
0x25: {  	v4 =	vadd.s32 s3, v2;
	_ =	sdelay $0x3  }
0x26: {  	[tilespmem:s15+$0x0] =	vst v3  }
0x27: {  	s31 =	simm.s32 $0x30;
	v3 =	vld.idx.msk [tilespmem:v4+s3+$0x0], $0xffff  }
0x28: {  	v4 =	vadd.s32 s31, v0;
	_ =	sdelay $0x3  }
0x29: {  	[tilespmem:s16+$0x0] =	vst v3  }
0x2a: {  	v3 =	vld.idx.msk [tilespmem:v4+s3+$0x0], $0xffff  }
0x2b: {  	v4 =	vadd.s32 s31, v1;
	_ =	sdelay $0x2  }
0x2c: {  	s0 =	simm.s32 $0x3010  }
0x2d: {  	[tilespmem:s0+$0x0] =	vst v3  }
0x2e: {  	v3 =	vld.idx.msk [tilespmem:v4+s3+$0x0], $0xffff  }
0x2f: {  	v4 =	vadd.s32 s31, v2;
	_ =	sdelay $0x2  }
0x30: {  	s1 =	simm.s32 $0x4010  }
0x31: {  	[tilespmem:s1+$0x0] =	vst v3  }
0x32: {  	s2 =	simm.s32 $0x60;
	v3 =	vld.idx.msk [tilespmem:v4+s3+$0x0], $0xffff  }
0x33: {  	s4 =	simm.s32 $0x90;
	v4 =	vadd.s32 s2, v0;
	s3 =	simm.s32 $0x5000  }
.LBB2_2:
0x34: {  	p0 =	sne.s32 s4, $0x2FD0;
	_ =	sdelay $0x1  }
0x35: {  	s3 =	sadd.s32 $0x10, s3  }
0x36: {  	[tilespmem:s3+$0x0] =	vst v3  }
0x37: {  	v3 =	vld.idx.msk [tilespmem:v4+s25+$0x0], $0xffff;
	_ =	sdelay $0x1  }
0x38: {  	v4 =	vadd.s32 s2, v1;
	_ =	sdelay $0x2  }
0x39: {  	s0 =	sadd.s32 $0x10, s0  }
0x3a: {  	[tilespmem:s0+$0x0] =	vst v3  }
0x3b: {  	v3 =	vld.idx.msk [tilespmem:v4+s25+$0x0], $0xffff;
	_ =	sdelay $0x1  }
0x3c: {  	v4 =	vadd.s32 s2, v2;
	s2 =	smov.u32 s4;
	_ =	sdelay $0x2  }
.Ltmp2:
0x3d: {  	s1 =	sadd.s32 $0x10, s1;
	(pc) =	sbr.rel @p0 .LBB2_2-.Ltmp2, $3  }
0x3e: {  	[tilespmem:s1+$0x0] =	vst v3  }
0x3f: {  	v3 =	vld.idx.msk [tilespmem:v4+s25+$0x0], $0xffff;
	_ =	sdelay $0x1  }
0x40: {  	s4 =	sadd.s32 $0x30, s4;
	v4 =	vadd.s32 s2, v0  }
0x41: {  	_ =	sdelay $0x1  }
0x42: {  	s3 =	sadd.s32 $0x10, s3  }
0x43: {  	[tilespmem:s3+$0x0] =	vst v3  }
0x44: {  	v3 =	vld.idx.msk [tilespmem:v4+s25+$0x0], $0xffff  }
0x45: {  	v62 =	vadd.s32 s2, v1;
	_ =	sdelay $0x2  }
0x46: {  	s0 =	sadd.s32 $0x10, s0  }
0x47: {  	[tilespmem:s0+$0x0] =	vst v3  }
0x48: {  	v3 =	vld.idx.msk [tilespmem:v62+s25+$0x0], $0xffff  }
0x49: {  	v63 =	vadd.s32 s2, v2;
	_ =	sdelay $0x2  }
0x4a: {  	s30 =	sadd.s32 $0x10, s1  }
0x4b: {  	[tilespmem:s30+$0x0] =	vst v3  }
0x4c: {  	v3 =	vld.idx.msk [tilespmem:v63+s25+$0x0], $0xffff;
	_ =	sdelay $0x3  }
0x4d: {  	s31 =	sadd.s32 $0x10, s3  }
0x4e: {  	s26 =	simm.s32 $0x0;
	[tilespmem:s31+$0x0] =	vst v3  }
.LBB2_4:
0x4f: {  	_ =	swait.ge [sflag:s13], $0x2000;
	p0 =	seq.s32 s26, $0x0  }
0x50: {  	s0 =	simm.s32 $0x0;
	s1 =	simm.s32 $0x0;
	[sflag:s13] =	ssyncset.done $0x0  }
0x51: {  	s18 =	sand.u32 $0x800, s25;
	s4 =	simm.s32 @!p0 $0x3;
	[sflag:s13] =	ssyncadd.s32 $0xFFFFE000  }
0x52: {  	s3 =	sand.u32 $0x1000, s0;
	s2 =	sand.u32 $0x380, s1;
	_ =	swait.ge @!p0 [sflag:s4], $0x6000  }
0x53: {  	s19 =	sor.u32 $0x400, s18;
	s6 =	sor.u32 s3, s2;
	[sflag:s4] =	ssyncset.done @!p0 $0x0  }
0x54: {  	s29 =	sor.u32 s19, s6;
	[sflag:s4] =	ssyncadd.s32 @!p0 $0xFFFFA000  }
0x55: {  	s30 =	sor.u32 s18, s6;
	v3 =	vld [tilespmem:s29+$0x6070]  }
0x56: {  	v4 =	vld [tilespmem:s30+$0x6000]  }
0x57: {  	v5 =	vld [tilespmem:s30+$0x6010]  }
0x58: {  	v6 =	vld [tilespmem:s30+$0x6020]  }
0x59: {  	v7 =	vld [tilespmem:s30+$0x6030]  }
0x5a: {  	v8 =	vld [tilespmem:s30+$0x6040]  }
0x5b: {  	v9 =	vld [tilespmem:s30+$0x6050]  }
0x5c: {  	v10 =	vld [tilespmem:s30+$0x6060]  }
0x5d: {  	v11 =	vld [tilespmem:s30+$0x6070]  }
0x5e: {  	v12 =	vld [tilespmem:s29+$0x6000]  }
0x5f: {  	v13 =	vld [tilespmem:s29+$0x6010];
	v3 =	vmul.f32 $4.096000000e+03, v3;
	v4 =	vmul.f32 $4.096000000e+03, v4  }
0x60: {  	v14 =	vld [tilespmem:s29+$0x6020];
	v5 =	vmul.f32 $4.096000000e+03, v5;
	v6 =	vmul.f32 $4.096000000e+03, v6  }
0x61: {  	v15 =	vld [tilespmem:s29+$0x6030];
	v7 =	vmul.f32 $4.096000000e+03, v7;
	v8 =	vmul.f32 $4.096000000e+03, v8  }
0x62: {  	v16 =	vld [tilespmem:s29+$0x6040];
	v9 =	vmul.f32 $4.096000000e+03, v9;
	v10 =	vmul.f32 $4.096000000e+03, v10  }
0x63: {  	v17 =	vld [tilespmem:s29+$0x6050];
	v11 =	vmul.f32 $4.096000000e+03, v11;
	v12 =	vmul.f32 $4.096000000e+03, v12  }
0x64: {  	v18 =	vld [tilespmem:s29+$0x6060];
	v13 =	vmul.f32 $4.096000000e+03, v13;
	v3 =	vadd.f32 $8.388608000e+06, v3;
	v4 =	vadd.f32 $8.388608000e+06, v4  }
0x65: {  	v14 =	vmul.f32 $4.096000000e+03, v14;
	v5 =	vadd.f32 $8.388608000e+06, v5;
	v6 =	vadd.f32 $8.388608000e+06, v6  }
0x66: {  	v15 =	vmul.f32 $4.096000000e+03, v15;
	v7 =	vadd.f32 $8.388608000e+06, v7;
	v8 =	vadd.f32 $8.388608000e+06, v8  }
0x67: {  	v16 =	vmul.f32 $4.096000000e+03, v16;
	v9 =	vadd.f32 $8.388608000e+06, v9;
	v10 =	vadd.f32 $8.388608000e+06, v10  }
0x68: {  	v17 =	vmul.f32 $4.096000000e+03, v17;
	v11 =	vadd.f32 $8.388608000e+06, v11;
	v12 =	vadd.f32 $8.388608000e+06, v12  }
0x69: {  	v18 =	vmul.f32 $4.096000000e+03, v18;
	v13 =	vadd.f32 $8.388608000e+06, v13;
	v14 =	vadd.f32 $8.388608000e+06, v14  }
0x6a: {  	v15 =	vadd.f32 $8.388608000e+06, v15;
	v16 =	vadd.f32 $8.388608000e+06, v16  }
0x6b: {  	v17 =	vadd.f32 $8.388608000e+06, v17;
	v18 =	vadd.f32 $8.388608000e+06, v18  }
0x6c: {  	v3 =	vadd.f32 $-8.388608000e+06, v3;
	v4 =	vadd.f32 $-8.388608000e+06, v4  }
0x6d: {  	v5 =	vadd.f32 $-8.388608000e+06, v5;
	v6 =	vadd.f32 $-8.388608000e+06, v6  }
0x6e: {  	v7 =	vadd.f32 $-8.388608000e+06, v7;
	v8 =	vadd.f32 $-8.388608000e+06, v8  }
0x6f: {  	v9 =	vadd.f32 $-8.388608000e+06, v9;
	v10 =	vadd.f32 $-8.388608000e+06, v10  }
0x70: {  	v11 =	vadd.f32 $-8.388608000e+06, v11;
	v12 =	vadd.f32 $-8.388608000e+06, v12  }
0x71: {  	v13 =	vadd.f32 $-8.388608000e+06, v13;
	v14 =	vadd.f32 $-8.388608000e+06, v14  }
0x72: {  	v15 =	vadd.f32 $-8.388608000e+06, v15;
	v3 =	vtrunc.f32 v3;
	v4 =	vtrunc.f32 v4  }
0x73: {  	v16 =	vadd.f32 $-8.388608000e+06, v16;
	v5 =	vtrunc.f32 v5;
	v6 =	vtrunc.f32 v6  }
0x74: {  	v17 =	vadd.f32 $-8.388608000e+06, v17;
	v7 =	vtrunc.f32 v7;
	v3 =	vcvt.f32.s32 v3  }
0x75: {  	v18 =	vadd.f32 $-8.388608000e+06, v18;
	v8 =	vtrunc.f32 v8;
	v9 =	vtrunc.f32 v9  }
0x76: {  	v10 =	vtrunc.f32 v10;
	v11 =	vtrunc.f32 v11;
	vm0 =	vgt.s32 v3, $0x0  }
0x77: {  	v12 =	vtrunc.f32 v12;
	v13 =	vtrunc.f32 v13;
	v3 =	vnsel vm0, $0x0, v3  }
0x78: {  	v14 =	vtrunc.f32 v14;
	v15 =	vtrunc.f32 v15;
	v3 =	vmin.u32 v3, $0xFFF  }
0x79: {  	v16 =	vtrunc.f32 v16;
	v17 =	vtrunc.f32 v17  }
0x7a: {  	v18 =	vtrunc.f32 v18;
	v4 =	vcvt.f32.s32 v4  }
0x7b: {  	v5 =	vcvt.f32.s32 v5;
	v6 =	vcvt.f32.s32 v6  }
0x7c: {  	v7 =	vcvt.f32.s32 v7;
	v8 =	vcvt.f32.s32 v8  }
0x7d: {  	v9 =	vcvt.f32.s32 v9;
	v20 =	vcvt.f32.s32 v10;
	v19 =	vld.idx.msk [tilespmem:v3+s14+$0x0], $0xffff  }
0x7e: {  	v21 =	vcvt.f32.s32 v11;
	v12 =	vcvt.f32.s32 v12  }
0x7f: {  	v14 =	vcvt.f32.s32 v14;
	v22 =	vcvt.f32.s32 v15  }
0x80: {  	v16 =	vcvt.f32.s32 v16;
	v23 =	vcvt.f32.s32 v17  }
0x81: {  	v24 =	vcvt.f32.s32 v18;
	vm15 =	vgt.s32 v4, $0x0;
	vm1 =	vgt.s32 v5, $0x0  }
0x82: {  	vm2 =	vgt.s32 v6, $0x0;
	vm3 =	vgt.s32 v7, $0x0;
	v4 =	vnsel vm15, $0x0, v4;
	[tilespmem:s29+$0xA070] =	vst v19  }
0x83: {  	vm4 =	vgt.s32 v8, $0x0;
	v5 =	vnsel vm1, $0x0, v5;
	v15 =	vmin.u32 v4, $0xFFF;
	v10 =	vld.idx.msk [tilespmem:v3+s15+$0x0], $0xffff  }
0x84: {  	vm5 =	vgt.s32 v9, $0x0;
	vm8 =	vgt.s32 v20, $0x0;
	v17 =	vmin.u32 v5, $0xFFF  }
0x85: {  	s22 =	sor.u32 $0xA000, s3;
	vm9 =	vgt.s32 v21, $0x0;
	vm10 =	vgt.s32 v12, $0x0;
	v4 =	vnsel vm2, $0x0, v6  }
0x86: {  	s23 =	sor.u32 s19, s22;
	v19 =	vcvt.f32.s32 v13;
	v13 =	vmin.u32 v4, $0xFFF;
	v4 =	vnsel vm4, $0x0, v8  }
0x87: {  	s31 =	sor.u32 s2, s23;
	vm12 =	vgt.s32 v14, $0x0;
	v5 =	vnsel vm3, $0x0, v7;
	v11 =	vmin.u32 v4, $0xFFF  }
0x88: {  	vm13 =	vgt.s32 v22, $0x0;
	v6 =	vld.idx.msk [tilespmem:v15+s14+$0x0], $0xffff;
	v4 =	vnsel vm8, $0x0, v20;
	[tilespmem:s31+$0x2070] =	vst v10;
	v10 =	vmin.u32 v5, $0xFFF  }
0x89: {  	vm14 =	vgt.s32 v16, $0x0;
	v25 =	vld.idx.msk [tilespmem:v17+s14+$0x0], $0xffff;
	v4 =	vmin.u32 v4, $0xFFF;
	v5 =	vnsel vm5, $0x0, v9  }
0x8a: {  	vm6 =	vgt.s32 v24, $0x0;
	v3 =	vld.idx.msk [tilespmem:v3+s16+$0x0], $0xffff;
	v8 =	vmin.u32 v5, $0xFFF;
	v5 =	vnsel vm9, $0x0, v21  }
0x8b: {  	v7 =	vnsel vm10, $0x0, v12;
	vm11 =	vgt.s32 v19, $0x0;
	v18 =	vld.idx.msk [tilespmem:v13+s14+$0x0], $0xffff;
	v5 =	vmin.u32 v5, $0xFFF  }
0x8c: {  	s28 =	sshll.u32 s26, $0x1;
	s7 =	simm.s32 $0x0;
	s24 =	sor.u32 $0xC000, s3;
	v26 =	vnsel vm14, $0x0, v16;
	v16 =	vmin.u32 v7, $0xFFF;
	v9 =	vnsel vm11, $0x0, v19;
	v20 =	vld.idx.msk [tilespmem:v11+s14+$0x0], $0xffff  }
0x8d: {  	s12 =	simm.s32 $0x0;
	s3 =	sor.u32 $0xE000, s3;
	s8 =	sor.u32 s18, s24;
	v22 =	vnsel vm13, $0x0, v22;
	v12 =	vnsel vm12, $0x0, v14;
	v14 =	vmin.u32 v9, $0xFFF;
	v19 =	vld.idx.msk [tilespmem:v10+s14+$0x0], $0xffff  }
0x8e: {  	s6 =	sor.u32 s19, s24;
	s1 =	sor.u32 s19, s3;
	s3 =	sor.u32 s18, s3;
	vm15 =	vgt.s32 v23, $0x0;
	v12 =	vmin.u32 v12, $0xFFF;
	[tilespmem:s30+$0xA000] =	vst v6;
	v9 =	vmin.u32 v22, $0xFFF;
	v22 =	vld.idx.msk [tilespmem:v4+s14+$0x0], $0xffff  }
0x8f: {  	s9 =	sor.u32 s2, s8;
	s8 =	sor.u32 s2, s6;
	s4 =	sor.u32 s18, s22;
	[tilespmem:s31+$0x4070] =	vst v3;
	v3 =	vnsel vm15, $0x0, v23;
	v23 =	vnsel vm6, $0x0, v24;
	v21 =	vld.idx.msk [tilespmem:v8+s14+$0x0], $0xffff  }
0x90: {  	s3 =	sor.u32 s2, s3;
	s0 =	sor.u32 s2, s1;
	s2 =	sor.u32 s2, s4;
	v7 =	vmin.u32 v26, $0xFFF;
	[tilespmem:s30+$0xA010] =	vst v25;
	v6 =	vmin.u32 v3, $0xFFF;
	v3 =	vmin.u32 v23, $0xFFF;
	v23 =	vld.idx.msk [tilespmem:v5+s14+$0x0], $0xffff  }
.LBB2_5:
0x91: {  	s7 =	sadd.s32 $0x10, s7;
	[tilespmem:s30+$0xA020] =	vst v18;
	v18 =	vld.idx.msk [tilespmem:v16+s14+$0x0], $0xffff  }
0x92: {  	s12 =	sadd.s32 $0x800, s12;
	s1 =	sshll.u32 s7, $0x4;
	s4 =	sshll.u32 s7, $0x2;
	[tilespmem:s30+$0xA030] =	vst v19;
	v19 =	vld.idx.msk [tilespmem:v14+s14+$0x0], $0xffff  }
0x93: {  	s11 =	sand.u32 $0x800, s12;
	s19 =	sand.u32 $0x1000, s1;
	s10 =	sand.u32 $0x380, s4;
	[tilespmem:s30+$0xA040] =	vst v20;
	v20 =	vld.idx.msk [tilespmem:v12+s14+$0x0], $0xffff  }
0x94: {  	s22 =	sor.u32 $0x400, s11;
	s1 =	sor.u32 s19, s10;
	s17 =	sor.u32 $0xC000, s19;
	[tilespmem:s30+$0xA050] =	vst v21;
	v21 =	vld.idx.msk [tilespmem:v9+s14+$0x0], $0xffff  }
0x95: {  	s18 =	sor.u32 s11, s1;
	s6 =	sor.u32 s11, s17;
	s4 =	sor.u32 s22, s1;
	[tilespmem:s30+$0xA060] =	vst v22;
	v22 =	vld.idx.msk [tilespmem:v7+s14+$0x0], $0xffff  }
0x96: {  	s23 =	sor.u32 $0xE000, s19;
	s1 =	sor.u32 s22, s17;
	s6 =	sor.u32 s10, s6;
	v24 =	vld [tilespmem:s4+$0x6070];
	[tilespmem:s30+$0xA070] =	vst v23  }
0x97: {  	s17 =	sor.u32 s11, s23;
	s23 =	sor.u32 s22, s23;
	s1 =	sor.u32 s10, s1;
	v23 =	vld [tilespmem:s18+$0x6000];
	[tilespmem:s29+$0xA000] =	vst v18  }
0x98: {  	p1 =	slt.u32 s7, $0x1F0;
	s24 =	sor.u32 s10, s17;
	s23 =	sor.u32 s10, s23;
	v18 =	vld [tilespmem:s18+$0x6010];
	[tilespmem:s29+$0xA010] =	vst v19  }
0x99: {  	s30 =	smov.u32 s18;
	v19 =	vld [tilespmem:s18+$0x6020];
	[tilespmem:s29+$0xA020] =	vst v20  }
0x9a: {  	v20 =	vld [tilespmem:s30+$0x6030];
	[tilespmem:s29+$0xA030] =	vst v21  }
0x9b: {  	v21 =	vld [tilespmem:s30+$0x6040];
	v24 =	vmul.f32 $4.096000000e+03, v24;
	[tilespmem:s29+$0xA040] =	vst v22  }
0x9c: {  	v22 =	vmul.f32 $4.096000000e+03, v23;
	v23 =	vld [tilespmem:s30+$0x6050]  }
0x9d: {  	v18 =	vmul.f32 $4.096000000e+03, v18;
	v25 =	vld [tilespmem:s30+$0x6060];
	v24 =	vadd.f32 $8.388608000e+06, v24  }
0x9e: {  	v22 =	vadd.f32 $8.388608000e+06, v22;
	v19 =	vmul.f32 $4.096000000e+03, v19;
	v26 =	vld [tilespmem:s30+$0x6070]  }
0x9f: {  	v18 =	vadd.f32 $8.388608000e+06, v18;
	v20 =	vmul.f32 $4.096000000e+03, v20;
	v27 =	vld [tilespmem:s4+$0x6000];
	v24 =	vadd.f32 $-8.388608000e+06, v24  }
0xa0: {  	v22 =	vadd.f32 $-8.388608000e+06, v22;
	v19 =	vadd.f32 $8.388608000e+06, v19;
	v21 =	vmul.f32 $4.096000000e+03, v21;
	v28 =	vld [tilespmem:s4+$0x6010]  }
0xa1: {  	v20 =	vadd.f32 $8.388608000e+06, v20;
	v23 =	vmul.f32 $4.096000000e+03, v23;
	v29 =	vld [tilespmem:s4+$0x6020];
	v24 =	vtrunc.f32 v24  }
0xa2: {  	v21 =	vadd.f32 $8.388608000e+06, v21;
	v25 =	vmul.f32 $4.096000000e+03, v25;
	v30 =	vld [tilespmem:s4+$0x6030];
	v24 =	vcvt.f32.s32 v24  }
0xa3: {  	v18 =	vadd.f32 $-8.388608000e+06, v18;
	v23 =	vadd.f32 $8.388608000e+06, v23;
	v26 =	vmul.f32 $4.096000000e+03, v26;
	v31 =	vld [tilespmem:s4+$0x6040]  }
0xa4: {  	v25 =	vadd.f32 $8.388608000e+06, v25;
	v27 =	vmul.f32 $4.096000000e+03, v27;
	v32 =	vld [tilespmem:s4+$0x6050];
	vm0 =	vgt.s32 v24, $0x0  }
0xa5: {  	v26 =	vadd.f32 $8.388608000e+06, v26;
	v28 =	vmul.f32 $4.096000000e+03, v28;
	v33 =	vld [tilespmem:s4+$0x6060];
	v24 =	vnsel vm0, $0x0, v24  }
0xa6: {  	v27 =	vadd.f32 $8.388608000e+06, v27;
	v29 =	vmul.f32 $4.096000000e+03, v29;
	v24 =	vmin.u32 v24, $0xFFF;
	v34 =	vld.idx.msk [tilespmem:v6+s14+$0x0], $0xffff  }
0xa7: {  	v19 =	vadd.f32 $-8.388608000e+06, v19;
	v28 =	vadd.f32 $8.388608000e+06, v28;
	v30 =	vmul.f32 $4.096000000e+03, v30;
	v35 =	vld.idx.msk [tilespmem:v3+s14+$0x0], $0xffff  }
0xa8: {  	v20 =	vadd.f32 $-8.388608000e+06, v20;
	v29 =	vadd.f32 $8.388608000e+06, v29;
	v31 =	vmul.f32 $4.096000000e+03, v31;
	v36 =	vld.idx.msk [tilespmem:v15+s15+$0x0], $0xffff  }
0xa9: {  	v21 =	vadd.f32 $-8.388608000e+06, v21;
	v30 =	vadd.f32 $8.388608000e+06, v30;
	v32 =	vmul.f32 $4.096000000e+03, v32;
	v37 =	vld.idx.msk [tilespmem:v17+s15+$0x0], $0xffff  }
0xaa: {  	v23 =	vadd.f32 $-8.388608000e+06, v23;
	v31 =	vadd.f32 $8.388608000e+06, v31;
	v33 =	vmul.f32 $4.096000000e+03, v33;
	v38 =	vld.idx.msk [tilespmem:v13+s15+$0x0], $0xffff  }
0xab: {  	v22 =	vtrunc.f32 v22;
	v25 =	vadd.f32 $-8.388608000e+06, v25;
	v32 =	vadd.f32 $8.388608000e+06, v32;
	v39 =	vld.idx.msk [tilespmem:v24+s14+$0x0], $0xffff  }
0xac: {  	v18 =	vtrunc.f32 v18;
	v26 =	vadd.f32 $-8.388608000e+06, v26;
	v33 =	vadd.f32 $8.388608000e+06, v33;
	v40 =	vld.idx.msk [tilespmem:v10+s15+$0x0], $0xffff;
	[tilespmem:s29+$0xA050] =	vst v34  }
0xad: {  	v19 =	vtrunc.f32 v19;
	v27 =	vadd.f32 $-8.388608000e+06, v27;
	v28 =	vadd.f32 $-8.388608000e+06, v28;
	v34 =	vld.idx.msk [tilespmem:v11+s15+$0x0], $0xffff;
	[tilespmem:s29+$0xA060] =	vst v35;
	s29 =	smov.u32 s4  }
0xae: {  	v20 =	vtrunc.f32 v20;
	v29 =	vadd.f32 $-8.388608000e+06, v29;
	v30 =	vadd.f32 $-8.388608000e+06, v30;
	[tilespmem:s9+$0x0] =	vst v36;
	v35 =	vld.idx.msk [tilespmem:v8+s15+$0x0], $0xffff;
	s9 =	smov.u32 s6  }
0xaf: {  	v21 =	vtrunc.f32 v21;
	v31 =	vadd.f32 $-8.388608000e+06, v31;
	v32 =	vadd.f32 $-8.388608000e+06, v32;
	[tilespmem:s2+$0x2010] =	vst v37;
	v36 =	vld.idx.msk [tilespmem:v4+s15+$0x0], $0xffff  }
0xb0: {  	v23 =	vtrunc.f32 v23;
	v25 =	vtrunc.f32 v25;
	v33 =	vadd.f32 $-8.388608000e+06, v33;
	[tilespmem:s2+$0x2020] =	vst v38;
	v37 =	vld.idx.msk [tilespmem:v5+s15+$0x0], $0xffff  }
0xb1: {  	v26 =	vtrunc.f32 v26;
	v27 =	vtrunc.f32 v27;
	[tilespmem:s29+$0xA070] =	vst v39;
	v38 =	vld.idx.msk [tilespmem:v16+s15+$0x0], $0xffff  }
0xb2: {  	v28 =	vtrunc.f32 v28;
	v29 =	vtrunc.f32 v29;
	v39 =	vld.idx.msk [tilespmem:v24+s15+$0x0], $0xffff;
	[tilespmem:s2+$0x2030] =	vst v40  }
0xb3: {  	v30 =	vtrunc.f32 v30;
	v31 =	vtrunc.f32 v31;
	[tilespmem:s2+$0x2040] =	vst v34;
	v34 =	vld.idx.msk [tilespmem:v14+s15+$0x0], $0xffff  }
0xb4: {  	v32 =	vtrunc.f32 v32;
	v33 =	vtrunc.f32 v33;
	[tilespmem:s2+$0x2050] =	vst v35;
	v35 =	vld.idx.msk [tilespmem:v12+s15+$0x0], $0xffff  }
0xb5: {  	v22 =	vcvt.f32.s32 v22;
	v18 =	vcvt.f32.s32 v18;
	s4 =	sor.u32 $0xA000, s19;
	[tilespmem:s2+$0x2060] =	vst v36;
	v36 =	vld.idx.msk [tilespmem:v9+s15+$0x0], $0xffff  }
0xb6: {  	v19 =	vcvt.f32.s32 v19;
	v20 =	vcvt.f32.s32 v20;
	s6 =	sor.u32 s11, s4;
	s11 =	sor.u32 s22, s4;
	[tilespmem:s2+$0x2070] =	vst v37;
	v37 =	vld.idx.msk [tilespmem:v7+s15+$0x0], $0xffff  }
0xb7: {  	vm0 =	vgt.s32 v22, $0x0;
	v21 =	vcvt.f32.s32 v21;
	v23 =	vcvt.f32.s32 v23;
	s4 =	sor.u32 s10, s6;
	s6 =	sor.u32 s10, s11;
	[tilespmem:s8+$0x0] =	vst v38;
	v38 =	vld.idx.msk [tilespmem:v6+s15+$0x0], $0xffff;
	s8 =	smov.u32 s1  }
0xb8: {  	vm1 =	vgt.s32 v18, $0x0;
	v25 =	vcvt.f32.s32 v25;
	v26 =	vcvt.f32.s32 v26;
	[tilespmem:s6+$0x2070] =	vst v39;
	v39 =	vld.idx.msk [tilespmem:v3+s15+$0x0], $0xffff  }
0xb9: {  	vm2 =	vgt.s32 v19, $0x0;
	v27 =	vcvt.f32.s32 v27;
	v28 =	vcvt.f32.s32 v28;
	v24 =	vld.idx.msk [tilespmem:v24+s16+$0x0], $0xffff;
	[tilespmem:s31+$0x2010] =	vst v34  }
0xba: {  	vm3 =	vgt.s32 v20, $0x0;
	v29 =	vcvt.f32.s32 v29;
	v30 =	vcvt.f32.s32 v30;
	v15 =	vld.idx.msk [tilespmem:v15+s16+$0x0], $0xffff;
	[tilespmem:s31+$0x2020] =	vst v35  }
0xbb: {  	vm4 =	vgt.s32 v21, $0x0;
	v31 =	vcvt.f32.s32 v31;
	v32 =	vcvt.f32.s32 v32;
	v17 =	vld.idx.msk [tilespmem:v17+s16+$0x0], $0xffff;
	[tilespmem:s31+$0x2030] =	vst v36  }
0xbc: {  	vm5 =	vgt.s32 v23, $0x0;
	vm6 =	vgt.s32 v25, $0x0;
	v33 =	vcvt.f32.s32 v33;
	v13 =	vld.idx.msk [tilespmem:v13+s16+$0x0], $0xffff;
	[tilespmem:s31+$0x2040] =	vst v37  }
0xbd: {  	vm7 =	vgt.s32 v26, $0x0;
	vm8 =	vgt.s32 v27, $0x0;
	vm9 =	vgt.s32 v28, $0x0;
	v10 =	vld.idx.msk [tilespmem:v10+s16+$0x0], $0xffff;
	[tilespmem:s31+$0x2050] =	vst v38  }
0xbe: {  	vm10 =	vgt.s32 v29, $0x0;
	vm11 =	vgt.s32 v30, $0x0;
	vm12 =	vgt.s32 v31, $0x0;
	v11 =	vld.idx.msk [tilespmem:v11+s16+$0x0], $0xffff;
	[tilespmem:s31+$0x2060] =	vst v39  }
0xbf: {  	v22 =	vnsel vm0, $0x0, v22;
	vm0 =	vgt.s32 v32, $0x0;
	vm13 =	vgt.s32 v33, $0x0;
	[tilespmem:s6+$0x4070] =	vst v24;
	v8 =	vld.idx.msk [tilespmem:v8+s16+$0x0], $0xffff  }
0xc0: {  	v18 =	vnsel vm1, $0x0, v18;
	v19 =	vnsel vm2, $0x0, v19;
	v20 =	vnsel vm3, $0x0, v20;
	[tilespmem:s3+$0x0] =	vst v15;
	v24 =	vld.idx.msk [tilespmem:v4+s16+$0x0], $0xffff;
	s3 =	smov.u32 s24  }
0xc1: {  	v4 =	vnsel vm4, $0x0, v21;
	v21 =	vnsel vm5, $0x0, v23;
	v23 =	vnsel vm6, $0x0, v25;
	[tilespmem:s2+$0x4010] =	vst v17;
	v25 =	vld.idx.msk [tilespmem:v5+s16+$0x0], $0xffff  }
0xc2: {  	v5 =	vnsel vm7, $0x0, v26;
	v26 =	vnsel vm8, $0x0, v27;
	v27 =	vnsel vm9, $0x0, v28;
	[tilespmem:s2+$0x4020] =	vst v13;
	v28 =	vld.idx.msk [tilespmem:v16+s16+$0x0], $0xffff  }
0xc3: {  	v29 =	vnsel vm10, $0x0, v29;
	v30 =	vnsel vm11, $0x0, v30;
	v31 =	vnsel vm12, $0x0, v31;
	[tilespmem:s2+$0x4030] =	vst v10;
	v34 =	vld.idx.msk [tilespmem:v14+s16+$0x0], $0xffff  }
0xc4: {  	v15 =	vmin.u32 v22, $0xFFF;
	v22 =	vnsel vm0, $0x0, v32;
	v32 =	vnsel vm13, $0x0, v33;
	[tilespmem:s2+$0x4040] =	vst v11;
	v33 =	vld.idx.msk [tilespmem:v12+s16+$0x0], $0xffff  }
0xc5: {  	v17 =	vmin.u32 v18, $0xFFF;
	v13 =	vmin.u32 v19, $0xFFF;
	v10 =	vmin.u32 v20, $0xFFF;
	[tilespmem:s2+$0x4050] =	vst v8;
	v19 =	vld.idx.msk [tilespmem:v9+s16+$0x0], $0xffff  }
0xc6: {  	v11 =	vmin.u32 v4, $0xFFF;
	v4 =	vmin.u32 v23, $0xFFF;
	v8 =	vmin.u32 v21, $0xFFF;
	[tilespmem:s2+$0x4060] =	vst v24;
	v20 =	vld.idx.msk [tilespmem:v7+s16+$0x0], $0xffff  }
0xc7: {  	v5 =	vmin.u32 v5, $0xFFF;
	v16 =	vmin.u32 v26, $0xFFF;
	v14 =	vmin.u32 v27, $0xFFF;
	[tilespmem:s2+$0x4070] =	vst v25;
	v21 =	vld.idx.msk [tilespmem:v6+s16+$0x0], $0xffff;
	s2 =	smov.u32 s4  }
0xc8: {  	v12 =	vmin.u32 v29, $0xFFF;
	v9 =	vmin.u32 v30, $0xFFF;
	v7 =	vmin.u32 v31, $0xFFF;
	[tilespmem:s0+$0x0] =	vst v28;
	v23 =	vld.idx.msk [tilespmem:v3+s16+$0x0], $0xffff;
	s0 =	smov.u32 s23  }
0xc9: {  	v6 =	vmin.u32 v22, $0xFFF;
	v3 =	vmin.u32 v32, $0xFFF;
	v24 =	vld.idx.msk [tilespmem:v15+s14+$0x0], $0xffff;
	[tilespmem:s31+$0x4010] =	vst v34  }
0xca: {  	v25 =	vld.idx.msk [tilespmem:v17+s14+$0x0], $0xffff;
	[tilespmem:s31+$0x4020] =	vst v33  }
0xcb: {  	v18 =	vld.idx.msk [tilespmem:v13+s14+$0x0], $0xffff;
	[tilespmem:s31+$0x4030] =	vst v19  }
.Ltmp3:
0xcc: {  	v19 =	vld.idx.msk [tilespmem:v10+s14+$0x0], $0xffff;
	[tilespmem:s31+$0x4040] =	vst v20;
	(pc) =	sbr.rel @p1 .LBB2_5-.Ltmp3, $4  }
0xcd: {  	v20 =	vld.idx.msk [tilespmem:v11+s14+$0x0], $0xffff;
	[tilespmem:s31+$0x4050] =	vst v21  }
0xce: {  	v21 =	vld.idx.msk [tilespmem:v8+s14+$0x0], $0xffff;
	[tilespmem:s31+$0x4060] =	vst v23;
	s31 =	smov.u32 s6  }
0xcf: {  	[tilespmem:s30+$0xA000] =	vst v24;
	v22 =	vld.idx.msk [tilespmem:v4+s14+$0x0], $0xffff  }
0xd0: {  	[tilespmem:s30+$0xA010] =	vst v25;
	v23 =	vld.idx.msk [tilespmem:v5+s14+$0x0], $0xffff  }
0xd1: {  	_ =	sdelay $0x2  }
0xd2: {  	[tilespmem:s30+$0xA020] =	vst v18  }
0xd3: {  	v28 =	vld.idx.msk [tilespmem:v16+s14+$0x0], $0xffff;
	[tilespmem:s30+$0xA030] =	vst v19  }
0xd4: {  	v29 =	vld.idx.msk [tilespmem:v14+s14+$0x0], $0xffff;
	[tilespmem:s30+$0xA040] =	vst v20  }
0xd5: {  	v30 =	vld.idx.msk [tilespmem:v12+s14+$0x0], $0xffff;
	[tilespmem:s30+$0xA050] =	vst v21  }
0xd6: {  	v31 =	vld.idx.msk [tilespmem:v9+s14+$0x0], $0xffff;
	[tilespmem:s30+$0xA060] =	vst v22  }
0xd7: {  	v32 =	vld.idx.msk [tilespmem:v7+s14+$0x0], $0xffff;
	[tilespmem:s30+$0xA070] =	vst v23  }
0xd8: {  	v33 =	vld.idx.msk [tilespmem:v6+s14+$0x0], $0xffff;
	[tilespmem:s29+$0xA000] =	vst v28  }
0xd9: {  	v34 =	vld.idx.msk [tilespmem:v3+s14+$0x0], $0xffff;
	[tilespmem:s29+$0xA010] =	vst v29  }
0xda: {  	v35 =	vld.idx.msk [tilespmem:v15+s15+$0x0], $0xffff;
	[tilespmem:s29+$0xA020] =	vst v30  }
0xdb: {  	v36 =	vld.idx.msk [tilespmem:v17+s15+$0x0], $0xffff;
	[tilespmem:s29+$0xA030] =	vst v31  }
0xdc: {  	v37 =	vld.idx.msk [tilespmem:v13+s15+$0x0], $0xffff;
	[tilespmem:s29+$0xA040] =	vst v32  }
0xdd: {  	v38 =	vld.idx.msk [tilespmem:v10+s15+$0x0], $0xffff;
	[tilespmem:s29+$0xA050] =	vst v33  }
0xde: {  	v39 =	vld.idx.msk [tilespmem:v11+s15+$0x0], $0xffff;
	[tilespmem:s29+$0xA060] =	vst v34  }
0xdf: {  	v40 =	vld.idx.msk [tilespmem:v8+s15+$0x0], $0xffff;
	[tilespmem:s9+$0x0] =	vst v35  }
0xe0: {  	v41 =	vld.idx.msk [tilespmem:v4+s15+$0x0], $0xffff;
	[tilespmem:s2+$0x2010] =	vst v36  }
0xe1: {  	v42 =	vld.idx.msk [tilespmem:v5+s15+$0x0], $0xffff;
	[tilespmem:s2+$0x2020] =	vst v37  }
0xe2: {  	v43 =	vld.idx.msk [tilespmem:v16+s15+$0x0], $0xffff;
	[tilespmem:s2+$0x2030] =	vst v38  }
0xe3: {  	v44 =	vld.idx.msk [tilespmem:v14+s15+$0x0], $0xffff;
	[tilespmem:s2+$0x2040] =	vst v39  }
0xe4: {  	v45 =	vld.idx.msk [tilespmem:v12+s15+$0x0], $0xffff;
	[tilespmem:s2+$0x2050] =	vst v40  }
0xe5: {  	v46 =	vld.idx.msk [tilespmem:v9+s15+$0x0], $0xffff;
	[tilespmem:s2+$0x2060] =	vst v41  }
0xe6: {  	v47 =	vld.idx.msk [tilespmem:v7+s15+$0x0], $0xffff;
	[tilespmem:s2+$0x2070] =	vst v42  }
0xe7: {  	v48 =	vld.idx.msk [tilespmem:v6+s15+$0x0], $0xffff;
	[tilespmem:s8+$0x0] =	vst v43  }
0xe8: {  	v49 =	vld.idx.msk [tilespmem:v3+s15+$0x0], $0xffff;
	[tilespmem:s31+$0x2010] =	vst v44  }
0xe9: {  	v50 =	vld.idx.msk [tilespmem:v15+s16+$0x0], $0xffff;
	[tilespmem:s31+$0x2020] =	vst v45  }
0xea: {  	v51 =	vld.idx.msk [tilespmem:v17+s16+$0x0], $0xffff;
	[tilespmem:s31+$0x2030] =	vst v46  }
0xeb: {  	v52 =	vld.idx.msk [tilespmem:v13+s16+$0x0], $0xffff;
	[tilespmem:s31+$0x2040] =	vst v47  }
0xec: {  	v53 =	vld.idx.msk [tilespmem:v10+s16+$0x0], $0xffff;
	[tilespmem:s31+$0x2050] =	vst v48  }
0xed: {  	v54 =	vld.idx.msk [tilespmem:v11+s16+$0x0], $0xffff;
	[tilespmem:s31+$0x2060] =	vst v49  }
0xee: {  	v55 =	vld.idx.msk [tilespmem:v8+s16+$0x0], $0xffff;
	[tilespmem:s3+$0x0] =	vst v50  }
0xef: {  	v56 =	vld.idx.msk [tilespmem:v4+s16+$0x0], $0xffff;
	[tilespmem:s2+$0x4010] =	vst v51  }
0xf0: {  	v57 =	vld.idx.msk [tilespmem:v5+s16+$0x0], $0xffff;
	[tilespmem:s2+$0x4020] =	vst v52  }
0xf1: {  	v58 =	vld.idx.msk [tilespmem:v16+s16+$0x0], $0xffff;
	[tilespmem:s2+$0x4030] =	vst v53  }
0xf2: {  	v59 =	vld.idx.msk [tilespmem:v14+s16+$0x0], $0xffff;
	[tilespmem:s2+$0x4040] =	vst v54  }
0xf3: {  	v60 =	vld.idx.msk [tilespmem:v12+s16+$0x0], $0xffff;
	[tilespmem:s2+$0x4050] =	vst v55  }
0xf4: {  	v61 =	vld.idx.msk [tilespmem:v9+s16+$0x0], $0xffff;
	[tilespmem:s2+$0x4060] =	vst v56  }
0xf5: {  	v62 =	vld.idx.msk [tilespmem:v7+s16+$0x0], $0xffff;
	[tilespmem:s2+$0x4070] =	vst v57  }
0xf6: {  	s23 =	sshrl.u32 s26, $0x4;
	v63 =	vld.idx.msk [tilespmem:v6+s16+$0x0], $0xffff;
	[tilespmem:s0+$0x0] =	vst v58  }
0xf7: {  	v3 =	vld.idx.msk [tilespmem:v3+s16+$0x0], $0xffff;
	[tilespmem:s31+$0x4010] =	vst v59;
	s0 =	sor.u32 s5, s23  }
0xf8: {  	s1 =	sshll.u32 s26, $0xE;
	p1 =	sne.s32 s26, $0x1F;
	[tilespmem:s31+$0x4020] =	vst v60;
	s0 =	smul.u32 $0xC0000, s0  }
.Ltmp4:
0xf9: {  	s1 =	sand.u32 $0x3C000, s1;
	[tilespmem:s31+$0x4030] =	vst v61;
	(pc) =	sbr.rel @p1 .LBB2_8-.Ltmp4, $4  }
0xfa: {  	[tilespmem:s31+$0x4040] =	vst v62;
	s0 =	sor.u32 s1, s0  }
0xfb: {  	s24 =	simm.s32 $0x2000;
	[tilespmem:s31+$0x4050] =	vst v63;
	s29 =	sshrl.u32 s0, $0x3  }
0xfc: {  	s30 =	simm.s32 $0x40000;
	[tilespmem:s31+$0x4060] =	vst v3;
	s31 =	simm.s32 $0xA000;
	s0 =	sadd.s32 s21, s29  }
0xfd: {  	[hbm4b:s0+s24] =	stream.strided.scatter [tilespmem:s31], [sflag:$0x3], $0x6000, s30, s24, $0x38;
	[tilespmem:$0x16000] =	vst v63  }
.Ltmp5:
0xfe: {  	(pc) =	sbr.rel .LBB2_9-.Ltmp5, $4  }
0xff: {  	_ = 	snop  }
0x100: {  	_ =	swait.ge [sflag:s20], $0x2000  }
0x101: {  	[sflag:s20] =	ssyncset.done $0x0  }
0x102: {  	[sflag:s20] =	ssyncadd.s32 $0xFFFFE000  }
.LBB2_8:
0x103: {  	s0 =	sadd.s32 $0x2, s28  }
0x104: {  	s1 =	sshrl.u32 s0, $0x5;
	s0 =	sshll.u32 s0, $0xA  }
0x105: {  	s2 =	rddreg [dreg:$0x0];
	s1 =	sadd.s32 s5, s1;
	s0 =	sand.u32 $0x7800, s0  }
0x106: {  	s30 =	simm.s32 $0x0;
	s1 =	sshll.u32 s1, $0xF;
	s0 =	sadd.s32 s2, s0  }
.Ltmp6:
0x107: {  	s31 =	simm.s32 $0x6000;
	s0 =	sadd.s32 s1, s0;
	(pc) =	sbr.rel @p0 .LBB2_10-.Ltmp6, $4  }
0x108: {  	[tilespmem:s31], [sflag:$0x1] =	stream.linear.gather [hbm4b:s0+s30], $0x2000, $0x38;
	[tilespmem:$0x16000] =	vst v63  }
0x109: {  	_ =	swait.ge [sflag:s20], $0x2000  }
0x10a: {  	[sflag:s20] =	ssyncset.done $0x0  }
0x10b: {  	[sflag:s20] =	ssyncadd.s32 $0xFFFFE000  }
.LBB2_9:
0x10c: {  	s0 =	simm.s32 $0x4  }
0x10d: {  	_ =	swait.ge [sflag:s0], $0x6000  }
0x10e: {  	[sflag:s0] =	ssyncset.done $0x0  }
0x10f: {  	[sflag:s0] =	ssyncadd.s32 $0xFFFFA000  }
.LBB2_10:
0x110: {  	s30 =	simm.s32 $0x0;
	s0 =	simm.s32 $0x0  }
0x111: {  	s8 =	sand.u32 $0x1000, s0;
	s2 =	sand.u32 $0x800, s30  }
0x112: {  	s12 =	simm.s32 $0x0;
	s1 =	sor.u32 $0x6000, s8;
	s3 =	sor.u32 $0x400, s2  }
0x113: {  	s0 =	sand.u32 $0x380, s12;
	s4 =	sor.u32 $0x8000, s8;
	s6 =	sor.u32 s3, s1  }
0x114: {  	s7 =	sor.u32 s2, s4;
	s6 =	sor.u32 s0, s6  }
0x115: {  	s1 =	sor.u32 s2, s1;
	s7 =	sor.u32 s0, s7;
	v3 =	vld [tilespmem:s6+$0x2070]  }
0x116: {  	s1 =	sor.u32 s0, s1;
	v4 =	vld [tilespmem:s7+$0x0]  }
0x117: {  	v5 =	vld [tilespmem:s1+$0x2010]  }
0x118: {  	v6 =	vld [tilespmem:s1+$0x2020]  }
0x119: {  	v7 =	vld [tilespmem:s1+$0x2030]  }
0x11a: {  	v8 =	vld [tilespmem:s1+$0x2040]  }
0x11b: {  	v9 =	vld [tilespmem:s1+$0x2050]  }
0x11c: {  	s4 =	sor.u32 s3, s4;
	v10 =	vld [tilespmem:s1+$0x2060]  }
0x11d: {  	s4 =	sor.u32 s0, s4;
	v11 =	vld [tilespmem:s1+$0x2070]  }
0x11e: {  	v12 =	vld [tilespmem:s4+$0x0]  }
0x11f: {  	v13 =	vld [tilespmem:s6+$0x2010];
	v3 =	vmul.f32 $4.096000000e+03, v3;
	v4 =	vmul.f32 $4.096000000e+03, v4  }
0x120: {  	v14 =	vld [tilespmem:s6+$0x2020];
	v5 =	vmul.f32 $4.096000000e+03, v5;
	v6 =	vmul.f32 $4.096000000e+03, v6  }
0x121: {  	v15 =	vld [tilespmem:s6+$0x2030];
	v7 =	vmul.f32 $4.096000000e+03, v7;
	v8 =	vmul.f32 $4.096000000e+03, v8  }
0x122: {  	v16 =	vld [tilespmem:s6+$0x2040];
	v9 =	vmul.f32 $4.096000000e+03, v9;
	v10 =	vmul.f32 $4.096000000e+03, v10  }
0x123: {  	v17 =	vld [tilespmem:s6+$0x2050];
	v11 =	vmul.f32 $4.096000000e+03, v11;
	v12 =	vmul.f32 $4.096000000e+03, v12;
	v3 =	vadd.f32 $8.388608000e+06, v3  }
0x124: {  	v18 =	vld [tilespmem:s6+$0x2060];
	v13 =	vmul.f32 $4.096000000e+03, v13;
	v4 =	vadd.f32 $8.388608000e+06, v4;
	v5 =	vadd.f32 $8.388608000e+06, v5  }
0x125: {  	v14 =	vmul.f32 $4.096000000e+03, v14;
	v6 =	vadd.f32 $8.388608000e+06, v6;
	v7 =	vadd.f32 $8.388608000e+06, v7  }
0x126: {  	v15 =	vmul.f32 $4.096000000e+03, v15;
	v8 =	vadd.f32 $8.388608000e+06, v8;
	v9 =	vadd.f32 $8.388608000e+06, v9  }
0x127: {  	v16 =	vmul.f32 $4.096000000e+03, v16;
	v10 =	vadd.f32 $8.388608000e+06, v10;
	v11 =	vadd.f32 $8.388608000e+06, v11  }
0x128: {  	v17 =	vmul.f32 $4.096000000e+03, v17;
	v12 =	vadd.f32 $8.388608000e+06, v12;
	v13 =	vadd.f32 $8.388608000e+06, v13  }
0x129: {  	v18 =	vmul.f32 $4.096000000e+03, v18;
	v14 =	vadd.f32 $8.388608000e+06, v14;
	v15 =	vadd.f32 $8.388608000e+06, v15  }
0x12a: {  	v16 =	vadd.f32 $8.388608000e+06, v16;
	v17 =	vadd.f32 $8.388608000e+06, v17  }
0x12b: {  	v18 =	vadd.f32 $8.388608000e+06, v18;
	v3 =	vadd.f32 $-8.388608000e+06, v3  }
0x12c: {  	v4 =	vadd.f32 $-8.388608000e+06, v4;
	v5 =	vadd.f32 $-8.388608000e+06, v5  }
0x12d: {  	v6 =	vadd.f32 $-8.388608000e+06, v6;
	v7 =	vadd.f32 $-8.388608000e+06, v7  }
0x12e: {  	v8 =	vadd.f32 $-8.388608000e+06, v8;
	v9 =	vadd.f32 $-8.388608000e+06, v9  }
0x12f: {  	v10 =	vadd.f32 $-8.388608000e+06, v10;
	v11 =	vadd.f32 $-8.388608000e+06, v11  }
0x130: {  	v12 =	vadd.f32 $-8.388608000e+06, v12;
	v13 =	vadd.f32 $-8.388608000e+06, v13  }
0x131: {  	v14 =	vadd.f32 $-8.388608000e+06, v14;
	v3 =	vtrunc.f32 v3;
	v4 =	vtrunc.f32 v4  }
0x132: {  	v15 =	vadd.f32 $-8.388608000e+06, v15;
	v5 =	vtrunc.f32 v5;
	v6 =	vtrunc.f32 v6  }
0x133: {  	v16 =	vadd.f32 $-8.388608000e+06, v16;
	v7 =	vtrunc.f32 v7;
	v8 =	vtrunc.f32 v8  }
0x134: {  	v17 =	vadd.f32 $-8.388608000e+06, v17;
	v9 =	vtrunc.f32 v9;
	v3 =	vcvt.f32.s32 v3  }
0x135: {  	v18 =	vadd.f32 $-8.388608000e+06, v18;
	v10 =	vtrunc.f32 v10;
	v11 =	vtrunc.f32 v11  }
0x136: {  	v12 =	vtrunc.f32 v12;
	v13 =	vtrunc.f32 v13;
	vm0 =	vgt.s32 v3, $0x0  }
0x137: {  	v14 =	vtrunc.f32 v14;
	v15 =	vtrunc.f32 v15;
	v3 =	vnsel vm0, $0x0, v3  }
0x138: {  	v16 =	vtrunc.f32 v16;
	v17 =	vtrunc.f32 v17;
	v3 =	vmin.u32 v3, $0xFFF  }
0x139: {  	v18 =	vtrunc.f32 v18;
	v4 =	vcvt.f32.s32 v4  }
0x13a: {  	v5 =	vcvt.f32.s32 v5;
	v6 =	vcvt.f32.s32 v6  }
0x13b: {  	v7 =	vcvt.f32.s32 v7;
	v8 =	vcvt.f32.s32 v8  }
0x13c: {  	v20 =	vcvt.f32.s32 v9;
	v21 =	vcvt.f32.s32 v10  }
0x13d: {  	v11 =	vcvt.f32.s32 v11;
	v12 =	vcvt.f32.s32 v12;
	v19 =	vld.idx.msk [tilespmem:v3+s14+$0x0], $0xffff  }
0x13e: {  	v22 =	vcvt.f32.s32 v13;
	v14 =	vcvt.f32.s32 v14  }
0x13f: {  	s17 =	sor.u32 $0xA000, s8;
	v23 =	vcvt.f32.s32 v15;
	v24 =	vcvt.f32.s32 v16  }
0x140: {  	s18 =	sor.u32 s3, s17;
	v17 =	vcvt.f32.s32 v17;
	v25 =	vcvt.f32.s32 v18  }
0x141: {  	s31 =	sor.u32 s0, s18;
	vm15 =	vgt.s32 v4, $0x0;
	vm1 =	vgt.s32 v5, $0x0;
	vm2 =	vgt.s32 v6, $0x0  }
0x142: {  	vm3 =	vgt.s32 v7, $0x0;
	vm4 =	vgt.s32 v8, $0x0;
	v4 =	vnsel vm15, $0x0, v4;
	[tilespmem:s31+$0x6070] =	vst v19  }
0x143: {  	vm5 =	vgt.s32 v20, $0x0;
	v5 =	vnsel vm1, $0x0, v5;
	v15 =	vmin.u32 v4, $0xFFF;
	v9 =	vld.idx.msk [tilespmem:v3+s15+$0x0], $0xffff  }
0x144: {  	vm6 =	vgt.s32 v21, $0x0;
	v4 =	vnsel vm2, $0x0, v6;
	v16 =	vmin.u32 v5, $0xFFF  }
0x145: {  	vm7 =	vgt.s32 v11, $0x0;
	v13 =	vmin.u32 v4, $0xFFF;
	v4 =	vnsel vm4, $0x0, v8  }
0x146: {  	vm9 =	vgt.s32 v12, $0x0;
	vm10 =	vgt.s32 v22, $0x0;
	v10 =	vmin.u32 v4, $0xFFF  }
0x147: {  	vm11 =	vgt.s32 v14, $0x0;
	vm12 =	vgt.s32 v23, $0x0;
	v5 =	vnsel vm3, $0x0, v7  }
0x148: {  	vm13 =	vgt.s32 v24, $0x0;
	v4 =	vnsel vm6, $0x0, v21;
	v26 =	vld.idx.msk [tilespmem:v15+s14+$0x0], $0xffff;
	[tilespmem:s31+$0x8070] =	vst v9;
	v9 =	vmin.u32 v5, $0xFFF  }
0x149: {  	vm14 =	vgt.s32 v17, $0x0;
	v8 =	vmin.u32 v4, $0xFFF;
	v18 =	vld.idx.msk [tilespmem:v16+s14+$0x0], $0xffff;
	v5 =	vnsel vm5, $0x0, v20  }
0x14a: {  	s19 =	sor.u32 $0x10000, s8;
	s21 =	sor.u32 $0x12000, s8;
	s23 =	sor.u32 $0x14000, s8;
	vm15 =	vgt.s32 v25, $0x0;
	v3 =	vld.idx.msk [tilespmem:v3+s16+$0x0], $0xffff;
	v7 =	vmin.u32 v5, $0xFFF;
	v5 =	vnsel vm7, $0x0, v11  }
0x14b: {  	s9 =	sor.u32 s2, s19;
	s10 =	sor.u32 s2, s21;
	s22 =	sor.u32 s3, s21;
	v63 =	vnsel vm14, $0x0, v17;
	v4 =	vnsel vm9, $0x0, v12;
	v21 =	vld.idx.msk [tilespmem:v10+s14+$0x0], $0xffff;
	v17 =	vmin.u32 v5, $0xFFF  }
0x14c: {  	s24 =	sor.u32 s2, s23;
	s11 =	sor.u32 s0, s9;
	s9 =	sor.u32 s0, s10;
	v6 =	vnsel vm10, $0x0, v22;
	v19 =	vld.idx.msk [tilespmem:v13+s14+$0x0], $0xffff;
	v11 =	vnsel vm11, $0x0, v14;
	v14 =	vmin.u32 v4, $0xFFF  }
0x14d: {  	s8 =	sor.u32 s0, s22;
	s7 =	simm.s32 $0x0;
	s4 =	sor.u32 s3, s19;
	v22 =	vnsel vm12, $0x0, v23;
	v23 =	vnsel vm13, $0x0, v24;
	v12 =	vmin.u32 v6, $0xFFF;
	v20 =	vld.idx.msk [tilespmem:v9+s14+$0x0], $0xffff  }
0x14e: {  	s6 =	sor.u32 s3, s23;
	s1 =	sor.u32 s2, s17;
	s3 =	sor.u32 s0, s24;
	v25 =	vnsel vm15, $0x0, v25;
	[tilespmem:s11+$0x0] =	vst v26;
	v11 =	vmin.u32 v11, $0xFFF;
	v5 =	vmin.u32 v23, $0xFFF;
	v23 =	vld.idx.msk [tilespmem:v8+s14+$0x0], $0xffff  }
0x14f: {  	s12 =	sor.u32 s0, s4;
	s2 =	sor.u32 s0, s6;
	s0 =	sor.u32 s0, s1;
	v6 =	vmin.u32 v22, $0xFFF;
	v4 =	vmin.u32 v63, $0xFFF;
	[tilespmem:s31+$0xA070] =	vst v3;
	v22 =	vld.idx.msk [tilespmem:v7+s14+$0x0], $0xffff;
	v3 =	vmin.u32 v25, $0xFFF  }
.LBB2_11:
0x150: {  	s7 =	sadd.s32 $0x10, s7;
	[tilespmem:s0+$0x6010] =	vst v18;
	v18 =	vld.idx.msk [tilespmem:v17+s14+$0x0], $0xffff  }
0x151: {  	s30 =	sadd.s32 $0x800, s30;
	s1 =	sshll.u32 s7, $0x4;
	p0 =	slt.u32 s7, $0x1F0;
	[tilespmem:s0+$0x6020] =	vst v19;
	v19 =	vld.idx.msk [tilespmem:v14+s14+$0x0], $0xffff  }
0x152: {  	s19 =	sand.u32 $0x800, s30;
	s6 =	sand.u32 $0x1000, s1;
	[tilespmem:s0+$0x6030] =	vst v20;
	v20 =	vld.idx.msk [tilespmem:v12+s14+$0x0], $0xffff  }
0x153: {  	s1 =	sshll.u32 s7, $0x2;
	s22 =	sor.u32 $0x400, s19;
	s4 =	sor.u32 $0x6000, s6;
	[tilespmem:s0+$0x6040] =	vst v21;
	v21 =	vld.idx.msk [tilespmem:v11+s14+$0x0], $0xffff  }
0x154: {  	s1 =	sand.u32 $0x380, s1;
	s10 =	sor.u32 $0x8000, s6;
	s11 =	sor.u32 s22, s4;
	[tilespmem:s0+$0x6050] =	vst v22;
	v22 =	vld.idx.msk [tilespmem:v6+s14+$0x0], $0xffff  }
0x155: {  	s18 =	sor.u32 s19, s10;
	s4 =	sor.u32 s19, s4;
	s17 =	sor.u32 s1, s11;
	[tilespmem:s0+$0x6060] =	vst v23;
	v23 =	vld.idx.msk [tilespmem:v5+s14+$0x0], $0xffff  }
0x156: {  	s11 =	sor.u32 s1, s18;
	s18 =	sor.u32 s1, s4;
	s4 =	sor.u32 s22, s10;
	v24 =	vld [tilespmem:s17+$0x2070];
	[tilespmem:s0+$0x6070] =	vst v18  }
0x157: {  	s10 =	sor.u32 $0x10000, s6;
	s21 =	sor.u32 s1, s4;
	v18 =	vld [tilespmem:s11+$0x0];
	s11 =	sor.u32 $0x12000, s6;
	[tilespmem:s12+$0x0] =	vst v19  }
0x158: {  	s4 =	sor.u32 s19, s10;
	s10 =	sor.u32 s22, s10;
	s24 =	sor.u32 s19, s11;
	v19 =	vld [tilespmem:s18+$0x2010];
	[tilespmem:s31+$0x6010] =	vst v20  }
0x159: {  	s23 =	sor.u32 s1, s4;
	s12 =	sor.u32 s1, s10;
	s10 =	sor.u32 s22, s11;
	v20 =	vld [tilespmem:s18+$0x2020];
	[tilespmem:s31+$0x6020] =	vst v21  }
0x15a: {  	s4 =	sor.u32 s1, s24;
	s24 =	sor.u32 $0x14000, s6;
	s11 =	sor.u32 s1, s10;
	v21 =	vld [tilespmem:s18+$0x2030];
	[tilespmem:s31+$0x6030] =	vst v22  }
0x15b: {  	s10 =	sor.u32 s19, s24;
	s24 =	sor.u32 s22, s24;
	v22 =	vld [tilespmem:s18+$0x2040];
	v24 =	vmul.f32 $4.096000000e+03, v24;
	[tilespmem:s31+$0x6040] =	vst v23  }
0x15c: {  	s10 =	sor.u32 s1, s10;
	s24 =	sor.u32 s1, s24;
	v18 =	vmul.f32 $4.096000000e+03, v18;
	v23 =	vld [tilespmem:s18+$0x2050]  }
0x15d: {  	v19 =	vmul.f32 $4.096000000e+03, v19;
	v25 =	vld [tilespmem:s18+$0x2060];
	v24 =	vadd.f32 $8.388608000e+06, v24  }
0x15e: {  	v18 =	vadd.f32 $8.388608000e+06, v18;
	v20 =	vmul.f32 $4.096000000e+03, v20;
	v26 =	vld [tilespmem:s18+$0x2070]  }
0x15f: {  	v19 =	vadd.f32 $8.388608000e+06, v19;
	v21 =	vmul.f32 $4.096000000e+03, v21;
	v27 =	vld [tilespmem:s21+$0x0];
	v24 =	vadd.f32 $-8.388608000e+06, v24  }
0x160: {  	v18 =	vadd.f32 $-8.388608000e+06, v18;
	v20 =	vadd.f32 $8.388608000e+06, v20;
	v22 =	vmul.f32 $4.096000000e+03, v22;
	v28 =	vld [tilespmem:s17+$0x2010]  }
0x161: {  	v21 =	vadd.f32 $8.388608000e+06, v21;
	v23 =	vmul.f32 $4.096000000e+03, v23;
	v29 =	vld [tilespmem:s17+$0x2020];
	v24 =	vtrunc.f32 v24  }
0x162: {  	v22 =	vadd.f32 $8.388608000e+06, v22;
	v25 =	vmul.f32 $4.096000000e+03, v25;
	v30 =	vld [tilespmem:s17+$0x2030];
	v24 =	vcvt.f32.s32 v24  }
0x163: {  	v19 =	vadd.f32 $-8.388608000e+06, v19;
	v23 =	vadd.f32 $8.388608000e+06, v23;
	v26 =	vmul.f32 $4.096000000e+03, v26;
	v31 =	vld [tilespmem:s17+$0x2040]  }
0x164: {  	v25 =	vadd.f32 $8.388608000e+06, v25;
	v27 =	vmul.f32 $4.096000000e+03, v27;
	v32 =	vld [tilespmem:s17+$0x2050];
	vm0 =	vgt.s32 v24, $0x0  }
0x165: {  	v26 =	vadd.f32 $8.388608000e+06, v26;
	v28 =	vmul.f32 $4.096000000e+03, v28;
	v33 =	vld [tilespmem:s17+$0x2060];
	v24 =	vnsel vm0, $0x0, v24  }
0x166: {  	v27 =	vadd.f32 $8.388608000e+06, v27;
	v29 =	vmul.f32 $4.096000000e+03, v29;
	v24 =	vmin.u32 v24, $0xFFF;
	v34 =	vld.idx.msk [tilespmem:v4+s14+$0x0], $0xffff  }
0x167: {  	v20 =	vadd.f32 $-8.388608000e+06, v20;
	v28 =	vadd.f32 $8.388608000e+06, v28;
	v30 =	vmul.f32 $4.096000000e+03, v30;
	v35 =	vld.idx.msk [tilespmem:v3+s14+$0x0], $0xffff  }
0x168: {  	v21 =	vadd.f32 $-8.388608000e+06, v21;
	v29 =	vadd.f32 $8.388608000e+06, v29;
	v31 =	vmul.f32 $4.096000000e+03, v31;
	v36 =	vld.idx.msk [tilespmem:v15+s15+$0x0], $0xffff  }
0x169: {  	v22 =	vadd.f32 $-8.388608000e+06, v22;
	v30 =	vadd.f32 $8.388608000e+06, v30;
	v32 =	vmul.f32 $4.096000000e+03, v32;
	v37 =	vld.idx.msk [tilespmem:v16+s15+$0x0], $0xffff  }
0x16a: {  	v23 =	vadd.f32 $-8.388608000e+06, v23;
	v31 =	vadd.f32 $8.388608000e+06, v31;
	v33 =	vmul.f32 $4.096000000e+03, v33;
	v38 =	vld.idx.msk [tilespmem:v13+s15+$0x0], $0xffff  }
0x16b: {  	v18 =	vtrunc.f32 v18;
	v25 =	vadd.f32 $-8.388608000e+06, v25;
	v32 =	vadd.f32 $8.388608000e+06, v32;
	v39 =	vld.idx.msk [tilespmem:v24+s14+$0x0], $0xffff  }
0x16c: {  	v19 =	vtrunc.f32 v19;
	v26 =	vadd.f32 $-8.388608000e+06, v26;
	v33 =	vadd.f32 $8.388608000e+06, v33;
	v40 =	vld.idx.msk [tilespmem:v9+s15+$0x0], $0xffff;
	[tilespmem:s31+$0x6050] =	vst v34  }
0x16d: {  	v20 =	vtrunc.f32 v20;
	v27 =	vadd.f32 $-8.388608000e+06, v27;
	v28 =	vadd.f32 $-8.388608000e+06, v28;
	v34 =	vld.idx.msk [tilespmem:v10+s15+$0x0], $0xffff;
	[tilespmem:s31+$0x6060] =	vst v35  }
0x16e: {  	s6 =	sor.u32 $0xA000, s6;
	v21 =	vtrunc.f32 v21;
	v29 =	vadd.f32 $-8.388608000e+06, v29;
	v30 =	vadd.f32 $-8.388608000e+06, v30;
	[tilespmem:s9+$0x0] =	vst v36;
	v35 =	vld.idx.msk [tilespmem:v7+s15+$0x0], $0xffff;
	s9 =	smov.u32 s4  }
0x16f: {  	s17 =	sor.u32 s22, s6;
	v22 =	vtrunc.f32 v22;
	v31 =	vadd.f32 $-8.388608000e+06, v31;
	v32 =	vadd.f32 $-8.388608000e+06, v32;
	s4 =	sor.u32 s19, s6;
	[tilespmem:s0+$0x8010] =	vst v37;
	v36 =	vld.idx.msk [tilespmem:v8+s15+$0x0], $0xffff  }
0x170: {  	v23 =	vtrunc.f32 v23;
	v25 =	vtrunc.f32 v25;
	v33 =	vadd.f32 $-8.388608000e+06, v33;
	s6 =	sor.u32 s1, s4;
	s1 =	sor.u32 s1, s17;
	[tilespmem:s0+$0x8020] =	vst v38;
	v37 =	vld.idx.msk [tilespmem:v17+s15+$0x0], $0xffff  }
0x171: {  	v26 =	vtrunc.f32 v26;
	v27 =	vtrunc.f32 v27;
	[tilespmem:s1+$0x6070] =	vst v39;
	v38 =	vld.idx.msk [tilespmem:v14+s15+$0x0], $0xffff  }
0x172: {  	v28 =	vtrunc.f32 v28;
	v29 =	vtrunc.f32 v29;
	v39 =	vld.idx.msk [tilespmem:v24+s15+$0x0], $0xffff;
	[tilespmem:s0+$0x8030] =	vst v40  }
0x173: {  	v30 =	vtrunc.f32 v30;
	v31 =	vtrunc.f32 v31;
	[tilespmem:s0+$0x8040] =	vst v34;
	v34 =	vld.idx.msk [tilespmem:v12+s15+$0x0], $0xffff  }
0x174: {  	v32 =	vtrunc.f32 v32;
	v33 =	vtrunc.f32 v33;
	[tilespmem:s0+$0x8050] =	vst v35;
	v35 =	vld.idx.msk [tilespmem:v11+s15+$0x0], $0xffff  }
0x175: {  	v18 =	vcvt.f32.s32 v18;
	v19 =	vcvt.f32.s32 v19;
	[tilespmem:s0+$0x8060] =	vst v36;
	v36 =	vld.idx.msk [tilespmem:v6+s15+$0x0], $0xffff  }
0x176: {  	v20 =	vcvt.f32.s32 v20;
	v21 =	vcvt.f32.s32 v21;
	[tilespmem:s0+$0x8070] =	vst v37;
	v37 =	vld.idx.msk [tilespmem:v5+s15+$0x0], $0xffff  }
0x177: {  	vm0 =	vgt.s32 v18, $0x0;
	v22 =	vcvt.f32.s32 v22;
	v23 =	vcvt.f32.s32 v23;
	[tilespmem:s8+$0x0] =	vst v38;
	v38 =	vld.idx.msk [tilespmem:v4+s15+$0x0], $0xffff;
	s8 =	smov.u32 s11  }
0x178: {  	vm1 =	vgt.s32 v19, $0x0;
	v25 =	vcvt.f32.s32 v25;
	v26 =	vcvt.f32.s32 v26;
	[tilespmem:s1+$0x8070] =	vst v39;
	v39 =	vld.idx.msk [tilespmem:v3+s15+$0x0], $0xffff  }
0x179: {  	vm2 =	vgt.s32 v20, $0x0;
	v27 =	vcvt.f32.s32 v27;
	v28 =	vcvt.f32.s32 v28;
	v24 =	vld.idx.msk [tilespmem:v24+s16+$0x0], $0xffff;
	[tilespmem:s31+$0x8010] =	vst v34  }
0x17a: {  	vm3 =	vgt.s32 v21, $0x0;
	v29 =	vcvt.f32.s32 v29;
	v30 =	vcvt.f32.s32 v30;
	v15 =	vld.idx.msk [tilespmem:v15+s16+$0x0], $0xffff;
	[tilespmem:s31+$0x8020] =	vst v35  }
0x17b: {  	vm4 =	vgt.s32 v22, $0x0;
	v31 =	vcvt.f32.s32 v31;
	v32 =	vcvt.f32.s32 v32;
	v16 =	vld.idx.msk [tilespmem:v16+s16+$0x0], $0xffff;
	[tilespmem:s31+$0x8030] =	vst v36  }
0x17c: {  	vm5 =	vgt.s32 v23, $0x0;
	vm6 =	vgt.s32 v25, $0x0;
	v33 =	vcvt.f32.s32 v33;
	v13 =	vld.idx.msk [tilespmem:v13+s16+$0x0], $0xffff;
	[tilespmem:s31+$0x8040] =	vst v37  }
0x17d: {  	vm7 =	vgt.s32 v26, $0x0;
	vm8 =	vgt.s32 v27, $0x0;
	vm9 =	vgt.s32 v28, $0x0;
	v9 =	vld.idx.msk [tilespmem:v9+s16+$0x0], $0xffff;
	[tilespmem:s31+$0x8050] =	vst v38  }
0x17e: {  	vm10 =	vgt.s32 v29, $0x0;
	vm11 =	vgt.s32 v30, $0x0;
	vm12 =	vgt.s32 v31, $0x0;
	v10 =	vld.idx.msk [tilespmem:v10+s16+$0x0], $0xffff;
	[tilespmem:s31+$0x8060] =	vst v39  }
0x17f: {  	v18 =	vnsel vm0, $0x0, v18;
	vm0 =	vgt.s32 v32, $0x0;
	vm13 =	vgt.s32 v33, $0x0;
	[tilespmem:s1+$0xA070] =	vst v24;
	v7 =	vld.idx.msk [tilespmem:v7+s16+$0x0], $0xffff  }
0x180: {  	v19 =	vnsel vm1, $0x0, v19;
	v20 =	vnsel vm2, $0x0, v20;
	v21 =	vnsel vm3, $0x0, v21;
	[tilespmem:s3+$0x0] =	vst v15;
	v24 =	vld.idx.msk [tilespmem:v8+s16+$0x0], $0xffff;
	s3 =	smov.u32 s10  }
0x181: {  	v8 =	vnsel vm4, $0x0, v22;
	v22 =	vnsel vm5, $0x0, v23;
	v23 =	vnsel vm6, $0x0, v25;
	[tilespmem:s0+$0xA010] =	vst v16;
	v25 =	vld.idx.msk [tilespmem:v17+s16+$0x0], $0xffff  }
0x182: {  	v17 =	vnsel vm7, $0x0, v26;
	v26 =	vnsel vm8, $0x0, v27;
	v27 =	vnsel vm9, $0x0, v28;
	[tilespmem:s0+$0xA020] =	vst v13;
	v28 =	vld.idx.msk [tilespmem:v14+s16+$0x0], $0xffff  }
0x183: {  	v29 =	vnsel vm10, $0x0, v29;
	v30 =	vnsel vm11, $0x0, v30;
	v31 =	vnsel vm12, $0x0, v31;
	[tilespmem:s0+$0xA030] =	vst v9;
	v34 =	vld.idx.msk [tilespmem:v12+s16+$0x0], $0xffff  }
0x184: {  	v15 =	vmin.u32 v18, $0xFFF;
	v18 =	vnsel vm0, $0x0, v32;
	v32 =	vnsel vm13, $0x0, v33;
	[tilespmem:s0+$0xA040] =	vst v10;
	v33 =	vld.idx.msk [tilespmem:v11+s16+$0x0], $0xffff  }
0x185: {  	v16 =	vmin.u32 v19, $0xFFF;
	v13 =	vmin.u32 v20, $0xFFF;
	v9 =	vmin.u32 v21, $0xFFF;
	[tilespmem:s0+$0xA050] =	vst v7;
	v20 =	vld.idx.msk [tilespmem:v6+s16+$0x0], $0xffff  }
0x186: {  	v10 =	vmin.u32 v8, $0xFFF;
	v8 =	vmin.u32 v23, $0xFFF;
	v7 =	vmin.u32 v22, $0xFFF;
	[tilespmem:s0+$0xA060] =	vst v24;
	v21 =	vld.idx.msk [tilespmem:v5+s16+$0x0], $0xffff  }
0x187: {  	v17 =	vmin.u32 v17, $0xFFF;
	v14 =	vmin.u32 v26, $0xFFF;
	v12 =	vmin.u32 v27, $0xFFF;
	[tilespmem:s0+$0xA070] =	vst v25;
	v22 =	vld.idx.msk [tilespmem:v4+s16+$0x0], $0xffff;
	s0 =	smov.u32 s6  }
0x188: {  	v11 =	vmin.u32 v29, $0xFFF;
	v6 =	vmin.u32 v30, $0xFFF;
	v5 =	vmin.u32 v31, $0xFFF;
	[tilespmem:s2+$0x0] =	vst v28;
	v23 =	vld.idx.msk [tilespmem:v3+s16+$0x0], $0xffff;
	s2 =	smov.u32 s24  }
0x189: {  	v4 =	vmin.u32 v18, $0xFFF;
	v3 =	vmin.u32 v32, $0xFFF;
	v24 =	vld.idx.msk [tilespmem:v15+s14+$0x0], $0xffff;
	[tilespmem:s31+$0xA010] =	vst v34  }
0x18a: {  	v18 =	vld.idx.msk [tilespmem:v16+s14+$0x0], $0xffff;
	[tilespmem:s31+$0xA020] =	vst v33  }
.Ltmp7:
0x18b: {  	v19 =	vld.idx.msk [tilespmem:v13+s14+$0x0], $0xffff;
	[tilespmem:s31+$0xA030] =	vst v20;
	(pc) =	sbr.rel @p0 .LBB2_11-.Ltmp7, $4  }
0x18c: {  	v20 =	vld.idx.msk [tilespmem:v9+s14+$0x0], $0xffff;
	[tilespmem:s31+$0xA040] =	vst v21  }
0x18d: {  	v21 =	vld.idx.msk [tilespmem:v10+s14+$0x0], $0xffff;
	[tilespmem:s31+$0xA050] =	vst v22  }
0x18e: {  	v22 =	vld.idx.msk [tilespmem:v7+s14+$0x0], $0xffff;
	[tilespmem:s31+$0xA060] =	vst v23;
	s31 =	smov.u32 s1  }
0x18f: {  	[tilespmem:s23+$0x0] =	vst v24;
	v23 =	vld.idx.msk [tilespmem:v8+s14+$0x0], $0xffff  }
0x190: {  	_ =	sdelay $0x2  }
0x191: {  	[tilespmem:s0+$0x6010] =	vst v18  }
0x192: {  	v27 =	vld.idx.msk [tilespmem:v17+s14+$0x0], $0xffff;
	[tilespmem:s0+$0x6020] =	vst v19  }
0x193: {  	v28 =	vld.idx.msk [tilespmem:v14+s14+$0x0], $0xffff;
	[tilespmem:s0+$0x6030] =	vst v20  }
0x194: {  	v29 =	vld.idx.msk [tilespmem:v12+s14+$0x0], $0xffff;
	[tilespmem:s0+$0x6040] =	vst v21  }
0x195: {  	v30 =	vld.idx.msk [tilespmem:v11+s14+$0x0], $0xffff;
	[tilespmem:s0+$0x6050] =	vst v22  }
0x196: {  	v31 =	vld.idx.msk [tilespmem:v6+s14+$0x0], $0xffff;
	[tilespmem:s0+$0x6060] =	vst v23  }
0x197: {  	v32 =	vld.idx.msk [tilespmem:v5+s14+$0x0], $0xffff;
	[tilespmem:s0+$0x6070] =	vst v27  }
0x198: {  	v33 =	vld.idx.msk [tilespmem:v4+s14+$0x0], $0xffff;
	[tilespmem:s12+$0x0] =	vst v28  }
0x199: {  	v34 =	vld.idx.msk [tilespmem:v3+s14+$0x0], $0xffff;
	[tilespmem:s31+$0x6010] =	vst v29  }
0x19a: {  	v35 =	vld.idx.msk [tilespmem:v15+s15+$0x0], $0xffff;
	[tilespmem:s31+$0x6020] =	vst v30  }
0x19b: {  	v36 =	vld.idx.msk [tilespmem:v16+s15+$0x0], $0xffff;
	[tilespmem:s31+$0x6030] =	vst v31  }
0x19c: {  	v37 =	vld.idx.msk [tilespmem:v13+s15+$0x0], $0xffff;
	[tilespmem:s31+$0x6040] =	vst v32  }
0x19d: {  	v38 =	vld.idx.msk [tilespmem:v9+s15+$0x0], $0xffff;
	[tilespmem:s31+$0x6050] =	vst v33  }
0x19e: {  	v39 =	vld.idx.msk [tilespmem:v10+s15+$0x0], $0xffff;
	[tilespmem:s31+$0x6060] =	vst v34  }
0x19f: {  	v40 =	vld.idx.msk [tilespmem:v7+s15+$0x0], $0xffff;
	[tilespmem:s9+$0x0] =	vst v35  }
0x1a0: {  	v41 =	vld.idx.msk [tilespmem:v8+s15+$0x0], $0xffff;
	[tilespmem:s0+$0x8010] =	vst v36  }
0x1a1: {  	[tilespmem:s0+$0x8020] =	vst v37;
	v42 =	vld.idx.msk [tilespmem:v17+s15+$0x0], $0xffff  }
0x1a2: {  	v43 =	vld.idx.msk [tilespmem:v14+s15+$0x0], $0xffff;
	[tilespmem:s0+$0x8030] =	vst v38  }
0x1a3: {  	v44 =	vld.idx.msk [tilespmem:v12+s15+$0x0], $0xffff;
	[tilespmem:s0+$0x8040] =	vst v39  }
0x1a4: {  	v45 =	vld.idx.msk [tilespmem:v11+s15+$0x0], $0xffff;
	[tilespmem:s0+$0x8050] =	vst v40  }
0x1a5: {  	v46 =	vld.idx.msk [tilespmem:v6+s15+$0x0], $0xffff;
	[tilespmem:s0+$0x8060] =	vst v41  }
0x1a6: {  	v47 =	vld.idx.msk [tilespmem:v5+s15+$0x0], $0xffff;
	[tilespmem:s0+$0x8070] =	vst v42  }
0x1a7: {  	v48 =	vld.idx.msk [tilespmem:v4+s15+$0x0], $0xffff;
	[tilespmem:s8+$0x0] =	vst v43  }
0x1a8: {  	v49 =	vld.idx.msk [tilespmem:v3+s15+$0x0], $0xffff;
	[tilespmem:s31+$0x8010] =	vst v44  }
0x1a9: {  	v50 =	vld.idx.msk [tilespmem:v15+s16+$0x0], $0xffff;
	[tilespmem:s31+$0x8020] =	vst v45  }
0x1aa: {  	v51 =	vld.idx.msk [tilespmem:v16+s16+$0x0], $0xffff;
	[tilespmem:s31+$0x8030] =	vst v46  }
0x1ab: {  	v52 =	vld.idx.msk [tilespmem:v13+s16+$0x0], $0xffff;
	[tilespmem:s31+$0x8040] =	vst v47  }
0x1ac: {  	v53 =	vld.idx.msk [tilespmem:v9+s16+$0x0], $0xffff;
	[tilespmem:s31+$0x8050] =	vst v48  }
0x1ad: {  	v54 =	vld.idx.msk [tilespmem:v10+s16+$0x0], $0xffff;
	[tilespmem:s31+$0x8060] =	vst v49  }
0x1ae: {  	v55 =	vld.idx.msk [tilespmem:v7+s16+$0x0], $0xffff;
	[tilespmem:s3+$0x0] =	vst v50  }
0x1af: {  	v56 =	vld.idx.msk [tilespmem:v8+s16+$0x0], $0xffff;
	[tilespmem:s0+$0xA010] =	vst v51  }
0x1b0: {  	v57 =	vld.idx.msk [tilespmem:v17+s16+$0x0], $0xffff;
	[tilespmem:s0+$0xA020] =	vst v52  }
0x1b1: {  	v58 =	vld.idx.msk [tilespmem:v14+s16+$0x0], $0xffff;
	[tilespmem:s0+$0xA030] =	vst v53  }
0x1b2: {  	v59 =	vld.idx.msk [tilespmem:v12+s16+$0x0], $0xffff;
	[tilespmem:s0+$0xA040] =	vst v54  }
0x1b3: {  	v60 =	vld.idx.msk [tilespmem:v11+s16+$0x0], $0xffff;
	[tilespmem:s0+$0xA050] =	vst v55  }
0x1b4: {  	v61 =	vld.idx.msk [tilespmem:v6+s16+$0x0], $0xffff;
	[tilespmem:s0+$0xA060] =	vst v56  }
0x1b5: {  	v62 =	vld.idx.msk [tilespmem:v5+s16+$0x0], $0xffff;
	[tilespmem:s0+$0xA070] =	vst v57  }
0x1b6: {  	v63 =	vld.idx.msk [tilespmem:v4+s16+$0x0], $0xffff;
	[tilespmem:s2+$0x0] =	vst v58  }
0x1b7: {  	v3 =	vld.idx.msk [tilespmem:v3+s16+$0x0], $0xffff;
	[tilespmem:s31+$0xA010] =	vst v59  }
0x1b8: {  	p0 =	seq.s32 s26, $0x1F;
	[tilespmem:s31+$0xA020] =	vst v60  }
.Ltmp8:
0x1b9: {  	[tilespmem:s31+$0xA030] =	vst v61;
	(pc) =	sbr.rel @p0 .LBB2_14-.Ltmp8, $4  }
0x1ba: {  	s21 =	rddreg [dreg:$0x2];
	[tilespmem:s31+$0xA040] =	vst v62  }
0x1bb: {  	s1 =	simm.s32 $0x2000;
	s29 =	sadd.s32 s29, s21;
	[tilespmem:s31+$0xA050] =	vst v63  }
0x1bc: {  	s30 =	simm.s32 $0x40000;
	[tilespmem:s31+$0xA060] =	vst v3;
	s0 =	sadd.s32 $0x400, s29;
	s31 =	simm.s32 $0x10000  }
0x1bd: {  	[hbm4b:s0+s1] =	stream.strided.scatter [tilespmem:s31], [sflag:$0x4], $0x6000, s30, s1, $0x38;
	[tilespmem:$0x16000] =	vst v63  }
0x1be: {  	s0 =	sadd.s32 $0x3, s28  }
.Ltmp9:
0x1bf: {  	s1 =	sshrl.u32 s0, $0x5;
	s0 =	sshll.u32 s0, $0xA;
	(pc) =	sbr.rel .LBB2_4-.Ltmp9, $4  }
0x1c0: {  	s2 =	rddreg [dreg:$0x0];
	s1 =	sadd.s32 s5, s1;
	s0 =	sand.u32 $0x7C00, s0  }
0x1c1: {  	s30 =	simm.s32 $0x0;
	s1 =	sshll.u32 s1, $0xF;
	s0 =	sadd.s32 s2, s0  }
0x1c2: {  	s31 =	simm.s32 $0x8000;
	s26 =	sadd.s32 $0x1, s26;
	s0 =	sadd.s32 s1, s0  }
0x1c3: {  	[tilespmem:s31], [sflag:$0x2] =	stream.linear.gather [hbm4b:s0+s30], $0x2000, $0x38;
	[tilespmem:$0x16000] =	vst v63  }
.LBB2_15:
0x1c4: {  	_ =	sfence.sel $0x180000  }
0x1c5: {  	[bflag:$0x0] =	sbarrier.arrive $0xFFFF  }
0x1c6: {  	_ =	strace $0x90000047  }
0x1c7: {  	s0 =	stileid.u32;
	[bflag:$0x2] =	sbarrier.arrive $0xFFFF  }
0x1c8: {  	p0 =	sne.s32 s0, $0x0;
	s0 =	rddreg [dreg:$0x3]  }
0x1c9: {  	s0 =	sadd.s32 @!p0 $0x100000, s0  }
0x1ca: {  	[sflag:s0] =	ssyncadd.tile.s32 @!p0 $0x1;
	_ =	shalt  }
.Lfunc_end2:
_tile_overlayer_lowered:
.L_overlay_start_2:
0x1cb: {  	(tag) =	ssettag $0x2  }
0x1cc: {  	s0 =	rddreg [dreg:$0x0];
	s2 =	stileid.u32  }
0x1cd: {  	s1 =	rddreg [dreg:$0x1];
	p0 =	sne.s32 s2, $0x0  }
0x1ce: {  	s3 =	rddreg [dreg:$0x2];
	[bflag:$0x3] =	sbarrier.arrive $0xFFFF;
	s2 =	simm.s32 @!p0 $0x1C05  }
0x1cf: {  	[timem:s3], [sflag:s2] =	dma.local @!p0 [hbm:s0], s1  }
0x1d0: {  	s0 =	simm.s32 @!p0 $0x5  }
0x1d1: {  	_ =	swait.ge @!p0 [sflag:s0], s1  }
0x1d2: {  	s1 =	ssub.s32 @!p0 $0x0, s1;
	[sflag:s0] =	ssyncset.done @!p0 $0x0  }
0x1d3: {  	[sflag:s0] =	ssyncadd.s32 @!p0 s1  }
0x1d4: {  	[bflag:$0x3] =	sbarrier.arrive $0xFFFF  }
0x1d5: {  	_ =	shalt  }

</sc_bundles>
